<compile_context>
chip_gen: v7x
topology: tpu7x:2x2x1
jax: 0.10.2.dev20260603
libtpu: 0.0.44.dev20260713+nightly
codegen_flags: <defaults>
</compile_context>

<pallas_src>
import functools

import jax
import jax.numpy as jnp
from jax import lax
from jax.experimental import pallas as pl
from jax.experimental.pallas import tpu as pltpu
from jax.experimental.pallas import tpu_sc as plsc

EMBED = 1024
HID = 4096
NE = 8
K = 2
S = 2048
P = S * K
BLOCK = 256
NB = P // BLOCK + NE
NPAD = NB * BLOCK
NEG = -1e30

TB = 256


def _router_body(x_ref, w1_ref, b1_ref, w2_ref, b2_ref,
                 te_ref, tg_ref, cnt_ref):
    i = pl.program_id(0)
    h = jnp.maximum(
        jnp.dot(x_ref[...], w1_ref[...], preferred_element_type=jnp.float32)
        + b1_ref[...], 0.0)
    s = jnp.dot(h, w2_ref[...], preferred_element_type=jnp.float32) + b2_ref[...]
    iota = lax.broadcasted_iota(jnp.int32, (TB, NE), 1)
    m1 = jnp.max(s, axis=1, keepdims=True)
    i1 = jnp.min(jnp.where(s == m1, iota, NE), axis=1, keepdims=True)
    s2 = jnp.where(iota == i1, NEG, s)
    m2 = jnp.max(s2, axis=1, keepdims=True)
    i2 = jnp.min(jnp.where(s2 == m2, iota, NE), axis=1, keepdims=True)
    g1 = 1.0 / (1.0 + jnp.exp(m2 - m1))
    te_ref[...] = jnp.concatenate([i1, i2], axis=1)
    tg_ref[...] = jnp.concatenate([g1, 1.0 - g1], axis=1)
    one = (iota == i1).astype(jnp.int32) + (iota == i2).astype(jnp.int32)
    cadd = jnp.sum(one, axis=0, keepdims=True)

    @pl.when(i == 0)
    def _():
        cnt_ref[...] = cadd

    @pl.when(i > 0)
    def _():
        cnt_ref[...] = cnt_ref[...] + cadd


def _router(x2, Wr1, br1, Wr2, br2):
    return pl.pallas_call(
        _router_body,
        grid=(S // TB,),
        in_specs=[
            pl.BlockSpec((TB, EMBED), lambda i: (i, 0)),
            pl.BlockSpec((EMBED, HID), lambda i: (0, 0)),
            pl.BlockSpec((1, HID), lambda i: (0, 0)),
            pl.BlockSpec((HID, NE), lambda i: (0, 0)),
            pl.BlockSpec((1, NE), lambda i: (0, 0)),
        ],
        out_specs=[
            pl.BlockSpec((TB, K), lambda i: (i, 0)),
            pl.BlockSpec((TB, K), lambda i: (i, 0)),
            pl.BlockSpec((1, NE), lambda i: (0, 0)),
        ],
        out_shape=[
            jax.ShapeDtypeStruct((S, K), jnp.int32),
            jax.ShapeDtypeStruct((S, K), jnp.float32),
            jax.ShapeDtypeStruct((1, NE), jnp.int32),
        ],
    )(x2, Wr1, br1.reshape(1, HID), Wr2, br2.reshape(1, NE))


_MESH = plsc.VectorSubcoreMesh(core_axis_name="c", subcore_axis_name="s",
                               num_cores=2, num_subcores=16)
_SC_PARAMS = pltpu.CompilerParams(needs_layout_passes=False)


@functools.partial(
    pl.kernel,
    out_type=[
        jax.ShapeDtypeStruct((NPAD,), jnp.int32),
        jax.ShapeDtypeStruct((NPAD,), jnp.float32),
    ],
    mesh=_MESH,
    compiler_params=_SC_PARAMS,
    scratch_types=[
        pltpu.VMEM((P,), jnp.int32),
        pltpu.VMEM((P,), jnp.float32),
        pltpu.VMEM((P + 16,), jnp.int32),
        pltpu.VMEM((P + 16,), jnp.float32),
        pltpu.VMEM((16,), jnp.int32),
    ],
)
def _compact(key_hbm, g_hbm, cnt_hbm, srt_hbm, gsrt_hbm,
             key_v, g_v, loc_i, loc_f, cnt_v):
    wid = lax.axis_index("s") * 2 + lax.axis_index("c")

    @pl.when(wid < NE)
    def _():
        pltpu.sync_copy(key_hbm, key_v)
        pltpu.sync_copy(g_hbm, g_v)
        pltpu.sync_copy(cnt_hbm, cnt_v)
        lane = lax.iota(jnp.int32, 16)
        cntv = cnt_v[pl.ds(0, 16)]
        pcnt = ((cntv + (BLOCK - 1)) // BLOCK) * BLOCK
        offs = jnp.cumsum(pcnt) - pcnt
        sel = lane == wid
        off_w = pl.multiple_of(jnp.sum(jnp.where(sel, offs, 0)), BLOCK)
        cnt_w = jnp.sum(jnp.where(sel, cntv, 0))
        nchunks = (cnt_w + (BLOCK - 1)) // BLOCK
        zi = jnp.zeros((16,), jnp.int32)
        zf = jnp.zeros((16,), jnp.float32)

        def zero_body(i, _):
            loc_i[pl.ds(i * 16, 16)] = zi
            loc_f[pl.ds(i * 16, 16)] = zf
            return 0

        lax.fori_loop(0, nchunks * (BLOCK // 16), zero_body, 0)

        def chunk(c, ptr):
            pair = c * 16 + lane
            k = key_v[pl.ds(c * 16, 16)]
            g = g_v[pl.ds(c * 16, 16)]
            m = k == wid
            cum = jnp.cumsum(m.astype(jnp.int32))
            slots = jnp.where(m, ptr + cum - 1, P + lane)
            plsc.store_scatter(loc_i, [slots], pair >> 1)
            plsc.store_scatter(loc_f, [slots], g)
            return ptr + cum[15]

        lax.fori_loop(0, P // 16, chunk, jnp.int32(0))

        def wb(c, _):
            pltpu.sync_copy(loc_i.at[pl.ds(c * BLOCK, BLOCK)],
                            srt_hbm.at[pl.ds(off_w + c * BLOCK, BLOCK)])
            pltpu.sync_copy(loc_f.at[pl.ds(c * BLOCK, BLOCK)],
                            gsrt_hbm.at[pl.ds(off_w + c * BLOCK, BLOCK)])
            return 0

        lax.fori_loop(0, nchunks, wb, 0)


def _expert_body(be_ref, nb_ref, x2_ref, srt_ref, w1_ref, b1_ref, w2_ref,
                 b2_ref, g_ref, out_ref):
    i = pl.program_id(0)

    @pl.when(i == 0)
    def _():
        out_ref[...] = jnp.zeros_like(out_ref)

    @pl.when(i < nb_ref[0])
    def _():
        tok = lax.broadcasted_iota(jnp.int32, (BLOCK, S), 1)
        onehot = (tok == srt_ref[...]).astype(jnp.bfloat16)
        xb = jnp.dot(onehot, x2_ref[...],
                     preferred_element_type=jnp.float32).astype(jnp.bfloat16)
        h = jnp.dot(xb, w1_ref[0], preferred_element_type=jnp.float32)
        h = jnp.maximum(h + b1_ref[0], 0.0).astype(jnp.bfloat16)
        o = jnp.dot(h, w2_ref[0], preferred_element_type=jnp.float32)
        ys = ((o + b2_ref[0]) * g_ref[...]).astype(jnp.bfloat16)
        out_ref[...] += lax.dot_general(
            onehot, ys, (((0,), (0,)), ((), ())),
            preferred_element_type=jnp.float32)


def _experts(be, nb, x2b, srt, W1b, b1, W2b, b2, gsrt):
    grid_spec = pltpu.PrefetchScalarGridSpec(
        num_scalar_prefetch=2,
        grid=(NB,),
        in_specs=[
            pl.BlockSpec((S, EMBED), lambda i, be, nb: (0, 0)),
            pl.BlockSpec((BLOCK, 1), lambda i, be, nb: (i, 0)),
            pl.BlockSpec((1, EMBED, HID), lambda i, be, nb: (be[i], 0, 0)),
            pl.BlockSpec((1, 1, HID), lambda i, be, nb: (be[i], 0, 0)),
            pl.BlockSpec((1, HID, EMBED), lambda i, be, nb: (be[i], 0, 0)),
            pl.BlockSpec((1, 1, EMBED), lambda i, be, nb: (be[i], 0, 0)),
            pl.BlockSpec((BLOCK, 1), lambda i, be, nb: (i, 0)),
        ],
        out_specs=pl.BlockSpec((S, EMBED), lambda i, be, nb: (0, 0)),
    )
    return pl.pallas_call(
        _expert_body,
        grid_spec=grid_spec,
        out_shape=jax.ShapeDtypeStruct((S, EMBED), jnp.float32),
        compiler_params=pltpu.CompilerParams(
            vmem_limit_bytes=110 * 1024 * 1024),
    )(be, nb, x2b, srt.reshape(NPAD, 1), W1b, b1, W2b, b2,
      gsrt.reshape(NPAD, 1))


def kernel(x, Wr1, br1, Wr2, br2, W1, b1, W2, b2):
    B = x.shape[0]
    x2 = x.reshape(S, EMBED)
    te, tg, cnt = _router(x2, Wr1, br1, Wr2, br2)

    key = te.reshape(P)
    gate = tg.reshape(P)
    counts = cnt[0]
    cnt16 = jnp.pad(counts, (0, 16 - NE)).astype(jnp.int32)
    srt, gsrt = _compact(key, gate, cnt16)

    nbe = (counts + BLOCK - 1) // BLOCK
    starts = jnp.concatenate(
        [jnp.zeros((1,), jnp.int32), jnp.cumsum(nbe)[:-1].astype(jnp.int32)])
    nblocks = jnp.sum(nbe).astype(jnp.int32)
    ar = jnp.arange(NB, dtype=jnp.int32)
    be = jnp.clip(jnp.sum((starts[None, :] <= ar[:, None]).astype(jnp.int32),
                          axis=1) - 1, 0, NE - 1)
    belast = be[jnp.clip(nblocks - 1, 0, NB - 1)]
    be = jnp.where(ar < nblocks, be, belast).astype(jnp.int32)

    W1b = W1.astype(jnp.bfloat16)
    W2b = W2.astype(jnp.bfloat16)
    out = _experts(be, nblocks.reshape(1), x2.astype(jnp.bfloat16), srt,
                   W1b, b1.reshape(NE, 1, HID), W2b, b2.reshape(NE, 1, EMBED),
                   gsrt)
    return out.reshape(B, S, EMBED)

# --- scband reference (transcript-rebuilt; emitter-appended) ---
"""Pipeline reference for scband-sparse-mo-e-25074019074699 (READ-ONLY COPY).

The authoritative reference and input builder live on the scoring server;
editing this copy changes nothing except your own understanding.
"""

import jax, jax.numpy as jnp
import numpy as np

EMBED = 1024
NUM_EXPERTS = 8
TOP_K = 2
B, S = 1, 2048


def setup_inputs(seed: int = 0) -> dict:
    key = jax.random.key(seed)
    ks = jax.random.split(key, 12)
    scale = 0.02
    x = jax.random.normal(ks[0], (B, S, EMBED), dtype=jnp.float32)
    # Router MLP params: Linear(E, 4E) -> ReLU -> Linear(4E, num_experts)
    Wr1 = jax.random.normal(ks[1], (EMBED, EMBED * 4), dtype=jnp.float32) * scale
    br1 = jnp.zeros((EMBED * 4,), dtype=jnp.float32)
    Wr2 = jax.random.normal(ks[2], (EMBED * 4, NUM_EXPERTS), dtype=jnp.float32) * scale
    br2 = jnp.zeros((NUM_EXPERTS,), dtype=jnp.float32)
    # Expert params: per-expert Linear(E, 4E) and Linear(4E, E)
    W1 = jax.random.normal(ks[3], (NUM_EXPERTS, EMBED, EMBED * 4), dtype=jnp.float32) * scale
    b1 = jnp.zeros((NUM_EXPERTS, EMBED * 4), dtype=jnp.float32)
    W2 = jax.random.normal(ks[4], (NUM_EXPERTS, EMBED * 4, EMBED), dtype=jnp.float32) * scale
    b2 = jnp.zeros((NUM_EXPERTS, EMBED), dtype=jnp.float32)
    return {"x": x, "Wr1": Wr1, "br1": br1, "Wr2": Wr2, "br2": br2,
            "W1": W1, "b1": b1, "W2": W2, "b2": b2}


def reference(x, Wr1, br1, Wr2, br2, W1, b1, W2, b2):
    # Router: score = MLP(x); top-k mask; softmax over masked scores
    score = jnp.maximum(x @ Wr1 + br1, 0.0) @ Wr2 + br2  # [B, S, E]
    _, topk_idx = jax.lax.top_k(score, TOP_K)  # [B, S, k]
    E = score.shape[-1]
    one_hot = jax.nn.one_hot(topk_idx, E, dtype=jnp.float32)  # [B, S, k, E]
    mask = jnp.sum(one_hot, axis=-2) > 0  # [B, S, E] bool
    masked_score = jnp.where(mask, score, -jnp.inf)
    gates = jax.nn.softmax(masked_score, axis=-1)  # [B, S, E]; exactly 0 for unselected experts
    # Experts: since gates are exactly zero for non-selected experts, the dense
    # weighted sum matches the torch masked-gather implementation exactly.
    final = jnp.zeros_like(x)
    for e in range(NUM_EXPERTS):
        h = jnp.maximum(x @ W1[e] + b1[e], 0.0)
        out = h @ W2[e] + b2[e]
        final = final + out * gates[..., e:e + 1]
    return final

if __name__ == "__main__":
    import jax
    _d = setup_inputs()
    print(jax.jit(kernel)(*tuple(_d.values())))

</pallas_src>

<mosaic_0001>
#map = affine_map<(d0, d1) -> (0)>
module attributes {stable_mosaic.version = 14 : i64} {
  func.func @_compact(%arg0: i32, %arg1: i32, %arg2: memref<4096xi32, #tpu.memory_space<hbm>>, %arg3: memref<4096xf32, #tpu.memory_space<hbm>>, %arg4: memref<16xi32, #tpu.memory_space<hbm>>, %arg5: memref<6144xi32, #tpu.memory_space<hbm>>, %arg6: memref<6144xf32, #tpu.memory_space<hbm>>, %arg7: memref<4096xi32, #tpu.memory_space<vmem>>, %arg8: memref<4096xf32, #tpu.memory_space<vmem>>, %arg9: memref<4112xi32, #tpu.memory_space<vmem>>, %arg10: memref<4112xf32, #tpu.memory_space<vmem>>, %arg11: memref<16xi32, #tpu.memory_space<vmem>>) attributes {dimension_semantics = [#tpu.dimension_semantics<core_parallel>, #tpu.dimension_semantics<subcore_parallel>], iteration_bounds = array<i64: 2, 16>, scalar_prefetch = 0 : i64, scratch_operands = 5 : i64, tpu.core_type = #tpu.core_type<sc_vector_subcore>, window_params = [{transform_indices = #map}, {transform_indices = #map}, {transform_indices = #map}, {transform_indices = #map}, {transform_indices = #map}]} {
    %mul3A = arith.constant 2 : i32
    %mul3A_0 = arith.muli %arg1, %mul3A : i32
    %add3A = arith.addi %mul3A_0, %arg0 : i32
    %lt3A = arith.constant 8 : i32
    %lt3A_1 = arith.cmpi slt, %add3A, %lt3A : i32
    %convert_element_type3A = arith.extui %lt3A_1 : i1 to i32
    %cond3A = arith.constant 0 : i32
    %cond3A_2 = arith.cmpi ne, %convert_element_type3A, %cond3A : i32
    scf.if %cond3A_2 {
      "tpu.region"() ({
        %run_scoped3A = tpu.sem_alloc : memref<!tpu.dma_semaphore, #tpu.memory_space<semaphore_mem>>
        tpu.enqueue_dma source(%arg2 : memref<4096xi32, #tpu.memory_space<hbm>>) target(%arg7 : memref<4096xi32, #tpu.memory_space<vmem>>) target_semaphore(%run_scoped3A : memref<!tpu.dma_semaphore, #tpu.memory_space<semaphore_mem>>)
        tpu.wait_dma2 semaphore(%run_scoped3A : memref<!tpu.dma_semaphore, #tpu.memory_space<semaphore_mem>>) src(%arg2 : memref<4096xi32, #tpu.memory_space<hbm>>) dst(%arg7 : memref<4096xi32, #tpu.memory_space<vmem>>)
        tpu.yield
      }) : () -> ()
      "tpu.region"() ({
        %run_scoped3A = tpu.sem_alloc : memref<!tpu.dma_semaphore, #tpu.memory_space<semaphore_mem>>
        tpu.enqueue_dma source(%arg3 : memref<4096xf32, #tpu.memory_space<hbm>>) target(%arg8 : memref<4096xf32, #tpu.memory_space<vmem>>) target_semaphore(%run_scoped3A : memref<!tpu.dma_semaphore, #tpu.memory_space<semaphore_mem>>)
        tpu.wait_dma2 semaphore(%run_scoped3A : memref<!tpu.dma_semaphore, #tpu.memory_space<semaphore_mem>>) src(%arg3 : memref<4096xf32, #tpu.memory_space<hbm>>) dst(%arg8 : memref<4096xf32, #tpu.memory_space<vmem>>)
        tpu.yield
      }) : () -> ()
      "tpu.region"() ({
        %run_scoped3A = tpu.sem_alloc : memref<!tpu.dma_semaphore, #tpu.memory_space<semaphore_mem>>
        tpu.enqueue_dma source(%arg4 : memref<16xi32, #tpu.memory_space<hbm>>) target(%arg11 : memref<16xi32, #tpu.memory_space<vmem>>) target_semaphore(%run_scoped3A : memref<!tpu.dma_semaphore, #tpu.memory_space<semaphore_mem>>)
        tpu.wait_dma2 semaphore(%run_scoped3A : memref<!tpu.dma_semaphore, #tpu.memory_space<semaphore_mem>>) src(%arg4 : memref<16xi32, #tpu.memory_space<hbm>>) dst(%arg11 : memref<16xi32, #tpu.memory_space<vmem>>)
        tpu.yield
      }) : () -> ()
      %iota3A = tpu.iota {dimensions = array<i32: 0>} : vector<16xi32>
      %get3A = arith.constant 0 : index
      %get3A_3 = tpu.vector_load %arg11[%get3A] {strides = array<i32>} : memref<16xi32, #tpu.memory_space<vmem>>, vector<16xi32>,
      %add3A_4 = arith.constant 255 : i32
      %add3A_5 = vector.broadcast %add3A_4 : i32 to vector<16xi32>
      %add3A_6 = arith.addi %get3A_3, %add3A_5 : vector<16xi32>
      %jit3A = arith.constant 256 : i32
      %div3A = vector.broadcast %jit3A : i32 to vector<16xi32>
      %div3A_7 = arith.divsi %add3A_6, %div3A : vector<16xi32>
      %sign3A = arith.constant 0 : i32
      %sign3A_8 = vector.broadcast %sign3A : i32 to vector<16xi32>
      %sign3A_9 = arith.cmpi sgt, %add3A_6, %sign3A_8 : vector<16xi32>
      %sign3A_10 = arith.extui %sign3A_9 : vector<16xi1> to vector<16xi32>
      %sign3A_11 = arith.constant 0 : i32
      %sign3A_12 = vector.broadcast %sign3A_11 : i32 to vector<16xi32>
      %sign3A_13 = arith.cmpi slt, %add3A_6, %sign3A_12 : vector<16xi32>
      %sign3A_14 = arith.extui %sign3A_13 : vector<16xi1> to vector<16xi32>
      %sign3A_15 = arith.subi %sign3A_10, %sign3A_14 : vector<16xi32>
      %sign3A_16 = arith.constant 0 : i32
      %sign3A_17 = arith.cmpi sgt, %jit3A, %sign3A_16 : i32
      %sign3A_18 = arith.extui %sign3A_17 : i1 to i32
      %sign3A_19 = arith.constant 0 : i32
      %sign3A_20 = arith.cmpi slt, %jit3A, %sign3A_19 : i32
      %sign3A_21 = arith.extui %sign3A_20 : i1 to i32
      %sign3A_22 = arith.subi %sign3A_18, %sign3A_21 : i32
      %ne3A = vector.broadcast %sign3A_22 : i32 to vector<16xi32>
      %ne3A_23 = arith.cmpi ne, %sign3A_15, %ne3A : vector<16xi32>
      %rem3A = vector.broadcast %jit3A : i32 to vector<16xi32>
      %rem3A_24 = arith.remsi %add3A_6, %rem3A : vector<16xi32>
      %ne3A_25 = arith.constant 0 : i32
      %ne3A_26 = vector.broadcast %ne3A_25 : i32 to vector<16xi32>
      %ne3A_27 = arith.cmpi ne, %rem3A_24, %ne3A_26 : vector<16xi32>
      %and3A = arith.andi %ne3A_23, %ne3A_27 : vector<16xi1>
      %sub3A = arith.constant 1 : i32
      %sub3A_28 = vector.broadcast %sub3A : i32 to vector<16xi32>
      %sub3A_29 = arith.subi %div3A_7, %sub3A_28 : vector<16xi32>
      %select_n3A = arith.select %and3A, %sub3A_29, %div3A_7 : vector<16xi1>, vector<16xi32>
      %mul3A_30 = arith.constant 256 : i32
      %mul3A_31 = vector.broadcast %mul3A_30 : i32 to vector<16xi32>
      %mul3A_32 = arith.muli %select_n3A, %mul3A_31 : vector<16xi32>
      %cumsum3A = arith.constant true
      %cumsum3A_33 = vector.broadcast %cumsum3A : i1 to vector<16xi1>
      %cumsum3A_34 = tpu.scan <sum>, %mul3A_32 masked %cumsum3A_33 : vector<16xi32>, vector<16xi1> -> vector<16xi32>
      %sub3A_35 = arith.subi %cumsum3A_34, %mul3A_32 : vector<16xi32>
      %eq3A = vector.broadcast %add3A : i32 to vector<16xi32>
      %eq3A_36 = arith.cmpi eq, %iota3A, %eq3A : vector<16xi32>
      %jit3A_37 = arith.constant 0 : i32
      %broadcast_in_dim3A = vector.broadcast %jit3A_37 : i32 to vector<16xi32>
      %select_n3A_38 = arith.select %eq3A_36, %sub3A_35, %broadcast_in_dim3A : vector<16xi1>, vector<16xi32>
      %reduce_sum3A = arith.constant true
      %reduce_sum3A_39 = vector.broadcast %reduce_sum3A : i1 to vector<16xi1>
      %reduce_sum3A_40 = tpu.scan <sum>, %select_n3A_38 masked %reduce_sum3A_39 : vector<16xi32>, vector<16xi1> -> vector<16xi32>
      %reduce_sum3A_41 = vector.extract %reduce_sum3A_40[15] : i32 from vector<16xi32>
      %multiple_of3A = tpu.assume_multiple %reduce_sum3A_41, 256 : i32
      %jit3A_42 = arith.constant 0 : i32
      %broadcast_in_dim3A_43 = vector.broadcast %jit3A_42 : i32 to vector<16xi32>
      %select_n3A_44 = arith.select %eq3A_36, %get3A_3, %broadcast_in_dim3A_43 : vector<16xi1>, vector<16xi32>
      %reduce_sum3A_45 = arith.constant true
      %reduce_sum3A_46 = vector.broadcast %reduce_sum3A_45 : i1 to vector<16xi1>
      %reduce_sum3A_47 = tpu.scan <sum>, %select_n3A_44 masked %reduce_sum3A_46 : vector<16xi32>, vector<16xi1> -> vector<16xi32>
      %reduce_sum3A_48 = vector.extract %reduce_sum3A_47[15] : i32 from vector<16xi32>
      %add3A_49 = arith.constant 255 : i32
      %add3A_50 = arith.addi %reduce_sum3A_48, %add3A_49 : i32
      %jit3A_51 = arith.constant 256 : i32
      %div3A_52 = arith.divsi %add3A_50, %jit3A_51 : i32
      %sign3A_53 = arith.constant 0 : i32
      %sign3A_54 = arith.cmpi sgt, %add3A_50, %sign3A_53 : i32
      %sign3A_55 = arith.extui %sign3A_54 : i1 to i32
      %sign3A_56 = arith.constant 0 : i32
      %sign3A_57 = arith.cmpi slt, %add3A_50, %sign3A_56 : i32
      %sign3A_58 = arith.extui %sign3A_57 : i1 to i32
      %sign3A_59 = arith.subi %sign3A_55, %sign3A_58 : i32
      %sign3A_60 = arith.constant 0 : i32
      %sign3A_61 = arith.cmpi sgt, %jit3A_51, %sign3A_60 : i32
      %sign3A_62 = arith.extui %sign3A_61 : i1 to i32
      %sign3A_63 = arith.constant 0 : i32
      %sign3A_64 = arith.cmpi slt, %jit3A_51, %sign3A_63 : i32
      %sign3A_65 = arith.extui %sign3A_64 : i1 to i32
      %sign3A_66 = arith.subi %sign3A_62, %sign3A_65 : i32
      %ne3A_67 = arith.cmpi ne, %sign3A_59, %sign3A_66 : i32
      %rem3A_68 = arith.remsi %add3A_50, %jit3A_51 : i32
      %ne3A_69 = arith.constant 0 : i32
      %ne3A_70 = arith.cmpi ne, %rem3A_68, %ne3A_69 : i32
      %and3A_71 = arith.andi %ne3A_67, %ne3A_70 : i1
      %sub3A_72 = arith.constant 1 : i32
      %sub3A_73 = arith.subi %div3A_52, %sub3A_72 : i32
      %select_n3A_74 = arith.select %and3A_71, %sub3A_73, %div3A_52 : i32
      %broadcast_in_dim3A_75 = arith.constant 0 : i32
      %broadcast_in_dim3A_76 = vector.broadcast %broadcast_in_dim3A_75 : i32 to vector<16xi32>
      %broadcast_in_dim3A_77 = arith.constant 0.000000e+00 : f32
      %broadcast_in_dim3A_78 = vector.broadcast %broadcast_in_dim3A_77 : f32 to vector<16xf32>
      %mul3A_79 = arith.constant 16 : i32
      %mul3A_80 = arith.muli %select_n3A_74, %mul3A_79 : i32
      %while3A = arith.constant 0 : i32
      %while3A_81 = arith.constant 0 : i32
      %while3A_82 = arith.subi %mul3A_80, %while3A : i32
      %while3A_83 = arith.addi %while3A, %while3A_82 : i32
      %while3A_84 = arith.constant 1 : i32
      %while3A_85 = arith.divsi %while3A_82, %while3A_84 : i32
      %while3A_86 = arith.muli %while3A_85, %while3A_84 : i32
      %while3A_87 = arith.addi %while3A, %while3A_86 : i32
      %while3A_88 = arith.constant 1 : i32
      %while3A_89 = scf.for %while3A_110 = %while3A to %while3A_87 step %while3A_88 iter_args(%while3A_111 = %while3A_81) -> (i32)  : i32 {
        %mul3A_112 = arith.constant 16 : i32
        %mul3A_113 = arith.muli %while3A_110, %mul3A_112 : i32
        %swap3A = arith.index_cast %mul3A_113 : i32 to index
        %swap3A_114 = tpu.vector_load %arg9[%swap3A] {strides = array<i32>} : memref<4112xi32, #tpu.memory_space<vmem>>, vector<16xi32>,
        tpu.vector_store %arg9[%swap3A], %broadcast_in_dim3A_76 {strides = array<i32>} : memref<4112xi32, #tpu.memory_space<vmem>>, vector<16xi32>,
        %mul3A_115 = arith.constant 16 : i32
        %mul3A_116 = arith.muli %while3A_110, %mul3A_115 : i32
        %swap3A_117 = arith.index_cast %mul3A_116 : i32 to index
        %swap3A_118 = tpu.vector_load %arg10[%swap3A_117] {strides = array<i32>} : memref<4112xf32, #tpu.memory_space<vmem>>, vector<16xf32>,
        tpu.vector_store %arg10[%swap3A_117], %broadcast_in_dim3A_78 {strides = array<i32>} : memref<4112xf32, #tpu.memory_space<vmem>>, vector<16xf32>,
        %while3A_119 = arith.constant 0 : i32
        scf.yield %while3A_119 : i32
      }
      %while3A_90 = arith.constant 1 : i32
      %while3A_91 = scf.for %while3A_110 = %while3A_87 to %while3A_83 step %while3A_90 iter_args(%while3A_111 = %while3A_89) -> (i32)  : i32 {
        %mul3A_112 = arith.constant 16 : i32
        %mul3A_113 = arith.muli %while3A_110, %mul3A_112 : i32
        %swap3A = arith.index_cast %mul3A_113 : i32 to index
        %swap3A_114 = tpu.vector_load %arg9[%swap3A] {strides = array<i32>} : memref<4112xi32, #tpu.memory_space<vmem>>, vector<16xi32>,
        tpu.vector_store %arg9[%swap3A], %broadcast_in_dim3A_76 {strides = array<i32>} : memref<4112xi32, #tpu.memory_space<vmem>>, vector<16xi32>,
        %mul3A_115 = arith.constant 16 : i32
        %mul3A_116 = arith.muli %while3A_110, %mul3A_115 : i32
        %swap3A_117 = arith.index_cast %mul3A_116 : i32 to index
        %swap3A_118 = tpu.vector_load %arg10[%swap3A_117] {strides = array<i32>} : memref<4112xf32, #tpu.memory_space<vmem>>, vector<16xf32>,
        tpu.vector_store %arg10[%swap3A_117], %broadcast_in_dim3A_78 {strides = array<i32>} : memref<4112xf32, #tpu.memory_space<vmem>>, vector<16xf32>,
        %while3A_119 = arith.constant 0 : i32
        scf.yield %while3A_119 : i32
      }
      %scan3A = arith.constant 0 : i32
      %scan3A_92 = arith.constant 0 : i32
      %scan3A_93 = arith.constant 256 : i32
      %scan3A_94 = arith.addi %scan3A_92, %scan3A_93 : i32
      %scan3A_95 = arith.constant 1 : i32
      %scan3A_96 = scf.for %scan3A_110 = %scan3A_92 to %scan3A_94 step %scan3A_95 iter_args(%scan3A_111 = %scan3A) -> (i32)  : i32 {
        %mul3A_112 = arith.constant 16 : i32
        %mul3A_113 = arith.muli %scan3A_110, %mul3A_112 : i32
        %add3A_114 = vector.broadcast %mul3A_113 : i32 to vector<16xi32>
        %add3A_115 = arith.addi %add3A_114, %iota3A : vector<16xi32>
        %mul3A_116 = arith.constant 16 : i32
        %mul3A_117 = arith.muli %scan3A_110, %mul3A_116 : i32
        %get3A_118 = arith.index_cast %mul3A_117 : i32 to index
        %get3A_119 = tpu.vector_load %arg7[%get3A_118] {strides = array<i32>} : memref<4096xi32, #tpu.memory_space<vmem>>, vector<16xi32>,
        %mul3A_120 = arith.constant 16 : i32
        %mul3A_121 = arith.muli %scan3A_110, %mul3A_120 : i32
        %get3A_122 = arith.index_cast %mul3A_121 : i32 to index
        %get3A_123 = tpu.vector_load %arg8[%get3A_122] {strides = array<i32>} : memref<4096xf32, #tpu.memory_space<vmem>>, vector<16xf32>,
        %eq3A_124 = vector.broadcast %add3A : i32 to vector<16xi32>
        %eq3A_125 = arith.cmpi eq, %get3A_119, %eq3A_124 : vector<16xi32>
        %convert_element_type3A_126 = arith.extui %eq3A_125 : vector<16xi1> to vector<16xi32>
        %cumsum3A_127 = arith.constant true
        %cumsum3A_128 = vector.broadcast %cumsum3A_127 : i1 to vector<16xi1>
        %cumsum3A_129 = tpu.scan <sum>, %convert_element_type3A_126 masked %cumsum3A_128 : vector<16xi32>, vector<16xi1> -> vector<16xi32>
        %add3A_130 = vector.broadcast %scan3A_111 : i32 to vector<16xi32>
        %add3A_131 = arith.addi %add3A_130, %cumsum3A_129 : vector<16xi32>
        %sub3A_132 = arith.constant 1 : i32
        %sub3A_133 = vector.broadcast %sub3A_132 : i32 to vector<16xi32>
        %sub3A_134 = arith.subi %add3A_131, %sub3A_133 : vector<16xi32>
        %add3A_135 = arith.constant 4096 : i32
        %add3A_136 = vector.broadcast %add3A_135 : i32 to vector<16xi32>
        %add3A_137 = arith.addi %add3A_136, %iota3A : vector<16xi32>
        %select_n3A_138 = arith.select %eq3A_125, %sub3A_134, %add3A_137 : vector<16xi1>, vector<16xi32>
        %shift_right_arithmetic3A = arith.constant 1 : i32
        %shift_right_arithmetic3A_139 = vector.broadcast %shift_right_arithmetic3A : i32 to vector<16xi32>
        %shift_right_arithmetic3A_140 = arith.shrsi %add3A_115, %shift_right_arithmetic3A_139 : vector<16xi32>
        tpu.vector_store_idx %arg9[%select_n3A_138], %shift_right_arithmetic3A_140 : memref<4112xi32, #tpu.memory_space<vmem>>[vector<16xi32>], vector<16xi32>,
        tpu.vector_store_idx %arg10[%select_n3A_138], %get3A_123 : memref<4112xf32, #tpu.memory_space<vmem>>[vector<16xi32>], vector<16xf32>,
        %slice3A = vector.extract_strided_slice %cumsum3A_129 {offsets = [15], sizes = [1], strides = [1]} : vector<16xi32> to vector<1xi32>
        %squeeze3A = vector.extract %slice3A[0] : i32 from vector<1xi32>
        %add3A_141 = arith.addi %scan3A_111, %squeeze3A : i32
        scf.yield %add3A_141 : i32
      }
      %scan3A_97 = arith.constant 256 : i32
      %while3A_98 = arith.constant 0 : i32
      %while3A_99 = arith.constant 0 : i32
      %while3A_100 = arith.subi %select_n3A_74, %while3A_98 : i32
      %while3A_101 = arith.addi %while3A_98, %while3A_100 : i32
      %while3A_102 = arith.constant 1 : i32
      %while3A_103 = arith.divsi %while3A_100, %while3A_102 : i32
      %while3A_104 = arith.muli %while3A_103, %while3A_102 : i32
      %while3A_105 = arith.addi %while3A_98, %while3A_104 : i32
      %while3A_106 = arith.constant 1 : i32
      %while3A_107 = scf.for %while3A_110 = %while3A_98 to %while3A_105 step %while3A_106 iter_args(%while3A_111 = %while3A_99) -> (i32)  : i32 {
        %mul3A_112 = arith.constant 256 : i32
        %mul3A_113 = arith.muli %while3A_110, %mul3A_112 : i32
        %mul3A_114 = arith.constant 256 : i32
        %mul3A_115 = arith.muli %while3A_110, %mul3A_114 : i32
        %add3A_116 = arith.addi %multiple_of3A, %mul3A_115 : i32
        "tpu.region"() ({
          %run_scoped3A = tpu.sem_alloc : memref<!tpu.dma_semaphore, #tpu.memory_space<semaphore_mem>>
          %dma_start3A = tpu.memref_slice %arg9[%mul3A_113] : memref<4112xi32, #tpu.memory_space<vmem>> -> memref<256xi32, #tpu.memory_space<vmem>>
          %dma_start3A_123 = tpu.memref_slice %arg5[%add3A_116] : memref<6144xi32, #tpu.memory_space<hbm>> -> memref<256xi32, #tpu.memory_space<hbm>>
          %dma_start3A_124 = tpu.memref_slice %arg5[%add3A_116] : memref<6144xi32, #tpu.memory_space<hbm>> -> memref<256xi32, #tpu.memory_space<hbm>>
          %dma_start3A_125 = tpu.memref_slice %arg9[%mul3A_113] : memref<4112xi32, #tpu.memory_space<vmem>> -> memref<256xi32, #tpu.memory_space<vmem>>
          tpu.enqueue_dma source(%dma_start3A_125 : memref<256xi32, #tpu.memory_space<vmem>>) target(%dma_start3A_124 : memref<256xi32, #tpu.memory_space<hbm>>) target_semaphore(%run_scoped3A : memref<!tpu.dma_semaphore, #tpu.memory_space<semaphore_mem>>)
          %dma_wait3A = tpu.memref_slice %arg9[%mul3A_113] : memref<4112xi32, #tpu.memory_space<vmem>> -> memref<256xi32, #tpu.memory_space<vmem>>
          %dma_wait3A_126 = tpu.memref_slice %arg5[%add3A_116] : memref<6144xi32, #tpu.memory_space<hbm>> -> memref<256xi32, #tpu.memory_space<hbm>>
          %dma_wait3A_127 = tpu.memref_slice %arg5[%add3A_116] : memref<6144xi32, #tpu.memory_space<hbm>> -> memref<256xi32, #tpu.memory_space<hbm>>
          %dma_wait3A_128 = tpu.memref_slice %arg9[%mul3A_113] : memref<4112xi32, #tpu.memory_space<vmem>> -> memref<256xi32, #tpu.memory_space<vmem>>
          tpu.wait_dma2 semaphore(%run_scoped3A : memref<!tpu.dma_semaphore, #tpu.memory_space<semaphore_mem>>) src(%dma_wait3A_128 : memref<256xi32, #tpu.memory_space<vmem>>) dst(%dma_wait3A_127 : memref<256xi32, #tpu.memory_space<hbm>>)
          tpu.yield
        }) : () -> ()
        %mul3A_117 = arith.constant 256 : i32
        %mul3A_118 = arith.muli %while3A_110, %mul3A_117 : i32
        %mul3A_119 = arith.constant 256 : i32
        %mul3A_120 = arith.muli %while3A_110, %mul3A_119 : i32
        %add3A_121 = arith.addi %multiple_of3A, %mul3A_120 : i32
        "tpu.region"() ({
          %run_scoped3A = tpu.sem_alloc : memref<!tpu.dma_semaphore, #tpu.memory_space<semaphore_mem>>
          %dma_start3A = tpu.memref_slice %arg10[%mul3A_118] : memref<4112xf32, #tpu.memory_space<vmem>> -> memref<256xf32, #tpu.memory_space<vmem>>
          %dma_start3A_123 = tpu.memref_slice %arg6[%add3A_121] : memref<6144xf32, #tpu.memory_space<hbm>> -> memref<256xf32, #tpu.memory_space<hbm>>
          %dma_start3A_124 = tpu.memref_slice %arg6[%add3A_121] : memref<6144xf32, #tpu.memory_space<hbm>> -> memref<256xf32, #tpu.memory_space<hbm>>
          %dma_start3A_125 = tpu.memref_slice %arg10[%mul3A_118] : memref<4112xf32, #tpu.memory_space<vmem>> -> memref<256xf32, #tpu.memory_space<vmem>>
          tpu.enqueue_dma source(%dma_start3A_125 : memref<256xf32, #tpu.memory_space<vmem>>) target(%dma_start3A_124 : memref<256xf32, #tpu.memory_space<hbm>>) target_semaphore(%run_scoped3A : memref<!tpu.dma_semaphore, #tpu.memory_space<semaphore_mem>>)
          %dma_wait3A = tpu.memref_slice %arg10[%mul3A_118] : memref<4112xf32, #tpu.memory_space<vmem>> -> memref<256xf32, #tpu.memory_space<vmem>>
          %dma_wait3A_126 = tpu.memref_slice %arg6[%add3A_121] : memref<6144xf32, #tpu.memory_space<hbm>> -> memref<256xf32, #tpu.memory_space<hbm>>
          %dma_wait3A_127 = tpu.memref_slice %arg6[%add3A_121] : memref<6144xf32, #tpu.memory_space<hbm>> -> memref<256xf32, #tpu.memory_space<hbm>>
          %dma_wait3A_128 = tpu.memref_slice %arg10[%mul3A_118] : memref<4112xf32, #tpu.memory_space<vmem>> -> memref<256xf32, #tpu.memory_space<vmem>>
          tpu.wait_dma2 semaphore(%run_scoped3A : memref<!tpu.dma_semaphore, #tpu.memory_space<semaphore_mem>>) src(%dma_wait3A_128 : memref<256xf32, #tpu.memory_space<vmem>>) dst(%dma_wait3A_127 : memref<256xf32, #tpu.memory_space<hbm>>)
          tpu.yield
        }) : () -> ()
        %while3A_122 = arith.constant 0 : i32
        scf.yield %while3A_122 : i32
      }
      %while3A_108 = arith.constant 1 : i32
      %while3A_109 = scf.for %while3A_110 = %while3A_105 to %while3A_101 step %while3A_108 iter_args(%while3A_111 = %while3A_107) -> (i32)  : i32 {
        %mul3A_112 = arith.constant 256 : i32
        %mul3A_113 = arith.muli %while3A_110, %mul3A_112 : i32
        %mul3A_114 = arith.constant 256 : i32
        %mul3A_115 = arith.muli %while3A_110, %mul3A_114 : i32
        %add3A_116 = arith.addi %multiple_of3A, %mul3A_115 : i32
        "tpu.region"() ({
          %run_scoped3A = tpu.sem_alloc : memref<!tpu.dma_semaphore, #tpu.memory_space<semaphore_mem>>
          %dma_start3A = tpu.memref_slice %arg9[%mul3A_113] : memref<4112xi32, #tpu.memory_space<vmem>> -> memref<256xi32, #tpu.memory_space<vmem>>
          %dma_start3A_123 = tpu.memref_slice %arg5[%add3A_116] : memref<6144xi32, #tpu.memory_space<hbm>> -> memref<256xi32, #tpu.memory_space<hbm>>
          %dma_start3A_124 = tpu.memref_slice %arg5[%add3A_116] : memref<6144xi32, #tpu.memory_space<hbm>> -> memref<256xi32, #tpu.memory_space<hbm>>
          %dma_start3A_125 = tpu.memref_slice %arg9[%mul3A_113] : memref<4112xi32, #tpu.memory_space<vmem>> -> memref<256xi32, #tpu.memory_space<vmem>>
          tpu.enqueue_dma source(%dma_start3A_125 : memref<256xi32, #tpu.memory_space<vmem>>) target(%dma_start3A_124 : memref<256xi32, #tpu.memory_space<hbm>>) target_semaphore(%run_scoped3A : memref<!tpu.dma_semaphore, #tpu.memory_space<semaphore_mem>>)
          %dma_wait3A = tpu.memref_slice %arg9[%mul3A_113] : memref<4112xi32, #tpu.memory_space<vmem>> -> memref<256xi32, #tpu.memory_space<vmem>>
          %dma_wait3A_126 = tpu.memref_slice %arg5[%add3A_116] : memref<6144xi32, #tpu.memory_space<hbm>> -> memref<256xi32, #tpu.memory_space<hbm>>
          %dma_wait3A_127 = tpu.memref_slice %arg5[%add3A_116] : memref<6144xi32, #tpu.memory_space<hbm>> -> memref<256xi32, #tpu.memory_space<hbm>>
          %dma_wait3A_128 = tpu.memref_slice %arg9[%mul3A_113] : memref<4112xi32, #tpu.memory_space<vmem>> -> memref<256xi32, #tpu.memory_space<vmem>>
          tpu.wait_dma2 semaphore(%run_scoped3A : memref<!tpu.dma_semaphore, #tpu.memory_space<semaphore_mem>>) src(%dma_wait3A_128 : memref<256xi32, #tpu.memory_space<vmem>>) dst(%dma_wait3A_127 : memref<256xi32, #tpu.memory_space<hbm>>)
          tpu.yield
        }) : () -> ()
        %mul3A_117 = arith.constant 256 : i32
        %mul3A_118 = arith.muli %while3A_110, %mul3A_117 : i32
        %mul3A_119 = arith.constant 256 : i32
        %mul3A_120 = arith.muli %while3A_110, %mul3A_119 : i32
        %add3A_121 = arith.addi %multiple_of3A, %mul3A_120 : i32
        "tpu.region"() ({
          %run_scoped3A = tpu.sem_alloc : memref<!tpu.dma_semaphore, #tpu.memory_space<semaphore_mem>>
          %dma_start3A = tpu.memref_slice %arg10[%mul3A_118] : memref<4112xf32, #tpu.memory_space<vmem>> -> memref<256xf32, #tpu.memory_space<vmem>>
          %dma_start3A_123 = tpu.memref_slice %arg6[%add3A_121] : memref<6144xf32, #tpu.memory_space<hbm>> -> memref<256xf32, #tpu.memory_space<hbm>>
          %dma_start3A_124 = tpu.memref_slice %arg6[%add3A_121] : memref<6144xf32, #tpu.memory_space<hbm>> -> memref<256xf32, #tpu.memory_space<hbm>>
          %dma_start3A_125 = tpu.memref_slice %arg10[%mul3A_118] : memref<4112xf32, #tpu.memory_space<vmem>> -> memref<256xf32, #tpu.memory_space<vmem>>
          tpu.enqueue_dma source(%dma_start3A_125 : memref<256xf32, #tpu.memory_space<vmem>>) target(%dma_start3A_124 : memref<256xf32, #tpu.memory_space<hbm>>) target_semaphore(%run_scoped3A : memref<!tpu.dma_semaphore, #tpu.memory_space<semaphore_mem>>)
          %dma_wait3A = tpu.memref_slice %arg10[%mul3A_118] : memref<4112xf32, #tpu.memory_space<vmem>> -> memref<256xf32, #tpu.memory_space<vmem>>
          %dma_wait3A_126 = tpu.memref_slice %arg6[%add3A_121] : memref<6144xf32, #tpu.memory_space<hbm>> -> memref<256xf32, #tpu.memory_space<hbm>>
          %dma_wait3A_127 = tpu.memref_slice %arg6[%add3A_121] : memref<6144xf32, #tpu.memory_space<hbm>> -> memref<256xf32, #tpu.memory_space<hbm>>
          %dma_wait3A_128 = tpu.memref_slice %arg10[%mul3A_118] : memref<4112xf32, #tpu.memory_space<vmem>> -> memref<256xf32, #tpu.memory_space<vmem>>
          tpu.wait_dma2 semaphore(%run_scoped3A : memref<!tpu.dma_semaphore, #tpu.memory_space<semaphore_mem>>) src(%dma_wait3A_128 : memref<256xf32, #tpu.memory_space<vmem>>) dst(%dma_wait3A_127 : memref<256xf32, #tpu.memory_space<hbm>>)
          tpu.yield
        }) : () -> ()
        %while3A_122 = arith.constant 0 : i32
        scf.yield %while3A_122 : i32
      }
    } else {
    }
    return
  }
}

module attributes {stable_mosaic.version = 14 : i64} {
  func.func @_router_body(%arg0: i32, %arg1: memref<256x1024xf32, #tpu.memory_space<vmem>>, %arg2: memref<1024x4096xf32, #tpu.memory_space<vmem>>, %arg3: memref<1x4096xf32, #tpu.memory_space<vmem>>, %arg4: memref<4096x8xf32, #tpu.memory_space<vmem>>, %arg5: memref<1x8xf32, #tpu.memory_space<vmem>>, %arg6: memref<256x2xi32, #tpu.memory_space<vmem>>, %arg7: memref<256x2xf32, #tpu.memory_space<vmem>>, %arg8: memref<1x8xi32, #tpu.memory_space<vmem>>) attributes {dimension_semantics = [#tpu.dimension_semantics<arbitrary>], iteration_bounds = array<i64: 8>, scalar_prefetch = 0 : i64, scratch_operands = 0 : i64, tpu.core_type = #tpu.core_type<tc>, window_params = [{transform_indices = @transform_0, window_bounds = array<i64: 256, 1024>}, {pipeline_mode = #tpu.pipeline_mode<synchronous>, transform_indices = @transform_1, window_bounds = array<i64: 1024, 4096>}, {pipeline_mode = #tpu.pipeline_mode<synchronous>, transform_indices = @transform_2, window_bounds = array<i64: 1, 4096>}, {pipeline_mode = #tpu.pipeline_mode<synchronous>, transform_indices = @transform_3, window_bounds = array<i64: 4096, 8>}, {pipeline_mode = #tpu.pipeline_mode<synchronous>, transform_indices = @transform_4, window_bounds = array<i64: 1, 8>}, {transform_indices = @transform_5, window_bounds = array<i64: 256, 2>}, {transform_indices = @transform_6, window_bounds = array<i64: 256, 2>}, {pipeline_mode = #tpu.pipeline_mode<synchronous>, transform_indices = @transform_7, window_bounds = array<i64: 1, 8>}]} {
    %get3A = arith.constant 0 : index
    %get3A_0 = arith.constant 0 : index
    %get3A_1 = vector.load %arg1[%get3A, %get3A_0] : memref<256x1024xf32, #tpu.memory_space<vmem>>, vector<256x1024xf32>
    %get3A_2 = arith.constant 0 : index
    %get3A_3 = arith.constant 0 : index
    %get3A_4 = vector.load %arg2[%get3A_2, %get3A_3] : memref<1024x4096xf32, #tpu.memory_space<vmem>>, vector<1024x4096xf32>
    %dot_general3A = arith.constant dense<0.000000e+00> : vector<256x4096xf32>
    %dot_general3A_5 = tpu.matmul %get3A_1, %get3A_4, %dot_general3A {dimension_numbers = #tpu.dot_dimension_numbers<[1], [0], [0], [1], [0, 0, 1, 1], [], []>, transpose_lhs_hint = false} : vector<256x1024xf32>, vector<1024x4096xf32>, vector<256x4096xf32> -> vector<256x4096xf32>
    %get3A_6 = arith.constant 0 : index
    %get3A_7 = arith.constant 0 : index
    %get3A_8 = vector.load %arg3[%get3A_6, %get3A_7] : memref<1x4096xf32, #tpu.memory_space<vmem>>, vector<1x4096xf32>
    %add3A = vector.broadcast %get3A_8 : vector<1x4096xf32> to vector<256x4096xf32>
    %add3A_9 = arith.addf %dot_general3A_5, %add3A : vector<256x4096xf32>
    %max3A = arith.constant 0.000000e+00 : f32
    %max3A_10 = vector.broadcast %max3A : f32 to vector<256x4096xf32>
    %max3A_11 = arith.maximumf %add3A_9, %max3A_10 : vector<256x4096xf32>
    %get3A_12 = arith.constant 0 : index
    %get3A_13 = arith.constant 0 : index
    %get3A_14 = vector.load %arg4[%get3A_12, %get3A_13] : memref<4096x8xf32, #tpu.memory_space<vmem>>, vector<4096x8xf32>
    %dot_general3A_15 = arith.constant dense<0.000000e+00> : vector<256x8xf32>
    %dot_general3A_16 = tpu.matmul %max3A_11, %get3A_14, %dot_general3A_15 {dimension_numbers = #tpu.dot_dimension_numbers<[1], [0], [0], [1], [0, 0, 1, 1], [], []>, transpose_lhs_hint = false} : vector<256x4096xf32>, vector<4096x8xf32>, vector<256x8xf32> -> vector<256x8xf32>
    %get3A_17 = arith.constant 0 : index
    %get3A_18 = arith.constant 0 : index
    %get3A_19 = vector.load %arg5[%get3A_17, %get3A_18] : memref<1x8xf32, #tpu.memory_space<vmem>>, vector<1x8xf32>
    %add3A_20 = vector.broadcast %get3A_19 : vector<1x8xf32> to vector<256x8xf32>
    %add3A_21 = arith.addf %dot_general3A_16, %add3A_20 : vector<256x8xf32>
    %iota3A = tpu.iota {dimensions = array<i32: 1>} : vector<256x8xi32>
    %reduce_max3A = arith.constant dense<0xFF800000> : vector<256xf32>
    %reduce_max3A_22 = vector.multi_reduction <maximumf>, %add3A_21, %reduce_max3A [1] : vector<256x8xf32> to vector<256xf32>
    %broadcast_in_dim3A = vector.shape_cast %reduce_max3A_22 : vector<256xf32> to vector<256x1xf32>
    %eq3A = vector.broadcast %broadcast_in_dim3A : vector<256x1xf32> to vector<256x8xf32>
    %eq3A_23 = arith.cmpf oeq, %add3A_21, %eq3A : vector<256x8xf32>
    %jit3A = arith.constant 8 : i32
    %broadcast_in_dim3A_24 = vector.broadcast %jit3A : i32 to vector<256x8xi32>
    %select_n3A = arith.select %eq3A_23, %iota3A, %broadcast_in_dim3A_24 : vector<256x8xi1>, vector<256x8xi32>
    %reduce_min3A = arith.constant dense<2147483647> : vector<256xi32>
    %reduce_min3A_25 = vector.multi_reduction <minsi>, %select_n3A, %reduce_min3A [1] : vector<256x8xi32> to vector<256xi32>
    %broadcast_in_dim3A_26 = vector.shape_cast %reduce_min3A_25 : vector<256xi32> to vector<256x1xi32>
    %eq3A_27 = vector.broadcast %broadcast_in_dim3A_26 : vector<256x1xi32> to vector<256x8xi32>
    %eq3A_28 = arith.cmpi eq, %iota3A, %eq3A_27 : vector<256x8xi32>
    %jit3A_29 = arith.constant -1.000000e+30 : f32
    %broadcast_in_dim3A_30 = vector.broadcast %jit3A_29 : f32 to vector<256x8xf32>
    %select_n3A_31 = arith.select %eq3A_28, %broadcast_in_dim3A_30, %add3A_21 : vector<256x8xi1>, vector<256x8xf32>
    %reduce_max3A_32 = arith.constant dense<0xFF800000> : vector<256xf32>
    %reduce_max3A_33 = vector.multi_reduction <maximumf>, %select_n3A_31, %reduce_max3A_32 [1] : vector<256x8xf32> to vector<256xf32>
    %broadcast_in_dim3A_34 = vector.shape_cast %reduce_max3A_33 : vector<256xf32> to vector<256x1xf32>
    %eq3A_35 = vector.broadcast %broadcast_in_dim3A_34 : vector<256x1xf32> to vector<256x8xf32>
    %eq3A_36 = arith.cmpf oeq, %select_n3A_31, %eq3A_35 : vector<256x8xf32>
    %jit3A_37 = arith.constant 8 : i32
    %broadcast_in_dim3A_38 = vector.broadcast %jit3A_37 : i32 to vector<256x8xi32>
    %select_n3A_39 = arith.select %eq3A_36, %iota3A, %broadcast_in_dim3A_38 : vector<256x8xi1>, vector<256x8xi32>
    %reduce_min3A_40 = arith.constant dense<2147483647> : vector<256xi32>
    %reduce_min3A_41 = vector.multi_reduction <minsi>, %select_n3A_39, %reduce_min3A_40 [1] : vector<256x8xi32> to vector<256xi32>
    %broadcast_in_dim3A_42 = vector.shape_cast %reduce_min3A_41 : vector<256xi32> to vector<256x1xi32>
    %sub3A = arith.subf %broadcast_in_dim3A_34, %broadcast_in_dim3A : vector<256x1xf32>
    %exp3A = math.exp %sub3A : vector<256x1xf32>
    %add3A_43 = arith.constant 1.000000e+00 : f32
    %add3A_44 = vector.broadcast %add3A_43 : f32 to vector<256x1xf32>
    %add3A_45 = arith.addf %add3A_44, %exp3A : vector<256x1xf32>
    %div3A = arith.constant 1.000000e+00 : f32
    %div3A_46 = vector.broadcast %div3A : f32 to vector<256x1xf32>
    %div3A_47 = arith.divf %div3A_46, %add3A_45 : vector<256x1xf32>
    %concatenate3A = tpu.concatenate %broadcast_in_dim3A_26, %broadcast_in_dim3A_42 in 1 : vector<256x1xi32>, vector<256x1xi32> -> vector<256x2xi32>
    %swap3A = arith.constant 0 : index
    %swap3A_48 = arith.constant 0 : index
    %swap3A_49 = vector.load %arg6[%swap3A, %swap3A_48] : memref<256x2xi32, #tpu.memory_space<vmem>>, vector<256x2xi32>
    tpu.vector_store %arg6[%swap3A, %swap3A_48], %concatenate3A {strides = array<i32>} : memref<256x2xi32, #tpu.memory_space<vmem>>, vector<256x2xi32>,
    %sub3A_50 = arith.constant 1.000000e+00 : f32
    %sub3A_51 = vector.broadcast %sub3A_50 : f32 to vector<256x1xf32>
    %sub3A_52 = arith.subf %sub3A_51, %div3A_47 : vector<256x1xf32>
    %concatenate3A_53 = tpu.concatenate %div3A_47, %sub3A_52 in 1 : vector<256x1xf32>, vector<256x1xf32> -> vector<256x2xf32>
    %swap3A_54 = arith.constant 0 : index
    %swap3A_55 = arith.constant 0 : index
    %swap3A_56 = vector.load %arg7[%swap3A_54, %swap3A_55] : memref<256x2xf32, #tpu.memory_space<vmem>>, vector<256x2xf32>
    tpu.vector_store %arg7[%swap3A_54, %swap3A_55], %concatenate3A_53 {strides = array<i32>} : memref<256x2xf32, #tpu.memory_space<vmem>>, vector<256x2xf32>,
    %eq3A_57 = vector.broadcast %broadcast_in_dim3A_26 : vector<256x1xi32> to vector<256x8xi32>
    %eq3A_58 = arith.cmpi eq, %iota3A, %eq3A_57 : vector<256x8xi32>
    %convert_element_type3A = arith.extui %eq3A_58 : vector<256x8xi1> to vector<256x8xi32>
    %eq3A_59 = vector.broadcast %broadcast_in_dim3A_42 : vector<256x1xi32> to vector<256x8xi32>
    %eq3A_60 = arith.cmpi eq, %iota3A, %eq3A_59 : vector<256x8xi32>
    %convert_element_type3A_61 = arith.extui %eq3A_60 : vector<256x8xi1> to vector<256x8xi32>
    %add3A_62 = arith.addi %convert_element_type3A, %convert_element_type3A_61 : vector<256x8xi32>
    %reduce_sum3A = arith.constant dense<0> : vector<8xi32>
    %reduce_sum3A_63 = vector.multi_reduction <add>, %add3A_62, %reduce_sum3A [0] : vector<256x8xi32> to vector<8xi32>
    %broadcast_in_dim3A_64 = vector.shape_cast %reduce_sum3A_63 : vector<8xi32> to vector<1x8xi32>
    %eq3A_65 = arith.constant 0 : i32
    %eq3A_66 = arith.cmpi eq, %arg0, %eq3A_65 : i32
    %convert_element_type3A_67 = arith.extui %eq3A_66 : i1 to i32
    %cond3A = arith.constant 0 : i32
    %cond3A_68 = arith.cmpi ne, %convert_element_type3A_67, %cond3A : i32
    scf.if %cond3A_68 {
      %swap3A_73 = arith.constant 0 : index
      %swap3A_74 = arith.constant 0 : index
      %swap3A_75 = vector.load %arg8[%swap3A_73, %swap3A_74] : memref<1x8xi32, #tpu.memory_space<vmem>>, vector<1x8xi32>
      tpu.vector_store %arg8[%swap3A_73, %swap3A_74], %broadcast_in_dim3A_64 {strides = array<i32>} : memref<1x8xi32, #tpu.memory_space<vmem>>, vector<1x8xi32>,
    } else {
    }
    %gt3A = arith.constant 0 : i32
    %gt3A_69 = arith.cmpi sgt, %arg0, %gt3A : i32
    %convert_element_type3A_70 = arith.extui %gt3A_69 : i1 to i32
    %cond3A_71 = arith.constant 0 : i32
    %cond3A_72 = arith.cmpi ne, %convert_element_type3A_70, %cond3A_71 : i32
    scf.if %cond3A_72 {
      %get3A_73 = arith.constant 0 : index
      %get3A_74 = arith.constant 0 : index
      %get3A_75 = vector.load %arg8[%get3A_73, %get3A_74] : memref<1x8xi32, #tpu.memory_space<vmem>>, vector<1x8xi32>
      %add3A_76 = arith.addi %get3A_75, %broadcast_in_dim3A_64 : vector<1x8xi32>
      %swap3A_77 = arith.constant 0 : index
      %swap3A_78 = arith.constant 0 : index
      %swap3A_79 = vector.load %arg8[%swap3A_77, %swap3A_78] : memref<1x8xi32, #tpu.memory_space<vmem>>, vector<1x8xi32>
      tpu.vector_store %arg8[%swap3A_77, %swap3A_78], %add3A_76 {strides = array<i32>} : memref<1x8xi32, #tpu.memory_space<vmem>>, vector<1x8xi32>,
    } else {
    }
    return
  }
  func.func @transform_0(%arg0: i32) -> (i32, i32) {
    %c0_i32 = arith.constant 0 : i32
    %c0_i32_0 = arith.constant 0 : i32
    return %arg0, %c0_i32 : i32, i32
  }
  func.func @transform_1(%arg0: i32) -> (i32, i32) {
    %c0_i32 = arith.constant 0 : i32
    %c0_i32_0 = arith.constant 0 : i32
    %c0_i32_1 = arith.constant 0 : i32
    return %c0_i32, %c0_i32_0 : i32, i32
  }
  func.func @transform_2(%arg0: i32) -> (i32, i32) {
    %c0_i32 = arith.constant 0 : i32
    %c0_i32_0 = arith.constant 0 : i32
    %c0_i32_1 = arith.constant 0 : i32
    return %c0_i32, %c0_i32_0 : i32, i32
  }
  func.func @transform_3(%arg0: i32) -> (i32, i32) {
    %c0_i32 = arith.constant 0 : i32
    %c0_i32_0 = arith.constant 0 : i32
    %c0_i32_1 = arith.constant 0 : i32
    return %c0_i32, %c0_i32_0 : i32, i32
  }
  func.func @transform_4(%arg0: i32) -> (i32, i32) {
    %c0_i32 = arith.constant 0 : i32
    %c0_i32_0 = arith.constant 0 : i32
    %c0_i32_1 = arith.constant 0 : i32
    return %c0_i32, %c0_i32_0 : i32, i32
  }
  func.func @transform_5(%arg0: i32) -> (i32, i32) {
    %c0_i32 = arith.constant 0 : i32
    %c0_i32_0 = arith.constant 0 : i32
    return %arg0, %c0_i32 : i32, i32
  }
  func.func @transform_6(%arg0: i32) -> (i32, i32) {
    %c0_i32 = arith.constant 0 : i32
    %c0_i32_0 = arith.constant 0 : i32
    return %arg0, %c0_i32 : i32, i32
  }
  func.func @transform_7(%arg0: i32) -> (i32, i32) {
    %c0_i32 = arith.constant 0 : i32
    %c0_i32_0 = arith.constant 0 : i32
    %c0_i32_1 = arith.constant 0 : i32
    return %c0_i32, %c0_i32_0 : i32, i32
  }
}

module attributes {stable_mosaic.version = 14 : i64} {
  func.func @_expert_body(%arg0: i32, %arg1: memref<24xi32, #tpu.memory_space<smem>>, %arg2: memref<1xi32, #tpu.memory_space<smem>>, %arg3: memref<2048x1024xbf16, #tpu.memory_space<vmem>>, %arg4: memref<256x1xi32, #tpu.memory_space<vmem>>, %arg5: memref<1x1024x4096xbf16, #tpu.memory_space<vmem>>, %arg6: memref<1x1x4096xf32, #tpu.memory_space<vmem>>, %arg7: memref<1x4096x1024xbf16, #tpu.memory_space<vmem>>, %arg8: memref<1x1x1024xf32, #tpu.memory_space<vmem>>, %arg9: memref<256x1xf32, #tpu.memory_space<vmem>>, %arg10: memref<2048x1024xf32, #tpu.memory_space<vmem>>) attributes {dimension_semantics = [#tpu.dimension_semantics<arbitrary>], iteration_bounds = array<i64: 24>, scalar_prefetch = 2 : i64, scratch_operands = 0 : i64, tpu.core_type = #tpu.core_type<tc>, window_params = [{pipeline_mode = #tpu.pipeline_mode<synchronous>, transform_indices = @transform_0, window_bounds = array<i64: 2048, 1024>}, {transform_indices = @transform_1, window_bounds = array<i64: 256, 1>}, {transform_indices = @transform_2, window_bounds = array<i64: 1, 1024, 4096>}, {transform_indices = @transform_3, window_bounds = array<i64: 1, 1, 4096>}, {transform_indices = @transform_4, window_bounds = array<i64: 1, 4096, 1024>}, {transform_indices = @transform_5, window_bounds = array<i64: 1, 1, 1024>}, {transform_indices = @transform_6, window_bounds = array<i64: 256, 1>}, {pipeline_mode = #tpu.pipeline_mode<synchronous>, transform_indices = @transform_7, window_bounds = array<i64: 2048, 1024>}]} {
    %eq3A = arith.constant 0 : i32
    %eq3A_0 = arith.cmpi eq, %arg0, %eq3A : i32
    %convert_element_type3A = arith.extui %eq3A_0 : i1 to i32
    %cond3A = arith.constant 0 : i32
    %cond3A_1 = arith.cmpi ne, %convert_element_type3A, %cond3A : i32
    scf.if %cond3A_1 {
      %broadcast_in_dim3A = arith.constant 0.000000e+00 : f32
      %broadcast_in_dim3A_6 = vector.broadcast %broadcast_in_dim3A : f32 to vector<2048x1024xf32>
      %swap3A = arith.constant 0 : index
      %swap3A_7 = arith.constant 0 : index
      %swap3A_8 = vector.load %arg10[%swap3A, %swap3A_7] : memref<2048x1024xf32, #tpu.memory_space<vmem>>, vector<2048x1024xf32>
      tpu.vector_store %arg10[%swap3A, %swap3A_7], %broadcast_in_dim3A_6 {strides = array<i32>} : memref<2048x1024xf32, #tpu.memory_space<vmem>>, vector<2048x1024xf32>,
    } else {
    }
    %get3A = arith.constant 0 : index
    %get3A_2 = memref.load %arg2[%get3A] : memref<1xi32, #tpu.memory_space<smem>>
    %lt3A = arith.cmpi slt, %arg0, %get3A_2 : i32
    %convert_element_type3A_3 = arith.extui %lt3A : i1 to i32
    %cond3A_4 = arith.constant 0 : i32
    %cond3A_5 = arith.cmpi ne, %convert_element_type3A_3, %cond3A_4 : i32
    scf.if %cond3A_5 {
      %iota3A = tpu.iota {dimensions = array<i32: 1>} : vector<256x2048xi32>
      %get3A_6 = arith.constant 0 : index
      %get3A_7 = arith.constant 0 : index
      %get3A_8 = vector.load %arg4[%get3A_6, %get3A_7] : memref<256x1xi32, #tpu.memory_space<vmem>>, vector<256x1xi32>
      %eq3A_9 = vector.broadcast %get3A_8 : vector<256x1xi32> to vector<256x2048xi32>
      %eq3A_10 = arith.cmpi eq, %iota3A, %eq3A_9 : vector<256x2048xi32>
      %convert_element_type3A_11 = arith.extui %eq3A_10 : vector<256x2048xi1> to vector<256x2048xi32>
      %convert_element_type3A_12 = arith.sitofp %convert_element_type3A_11 : vector<256x2048xi32> to vector<256x2048xf32>
      %convert_element_type3A_13 = arith.truncf %convert_element_type3A_12 : vector<256x2048xf32> to vector<256x2048xbf16>
      %get3A_14 = arith.constant 0 : index
      %get3A_15 = arith.constant 0 : index
      %get3A_16 = vector.load %arg3[%get3A_14, %get3A_15] : memref<2048x1024xbf16, #tpu.memory_space<vmem>>, vector<2048x1024xbf16>
      %dot_general3A = arith.constant dense<0.000000e+00> : vector<256x1024xf32>
      %dot_general3A_17 = tpu.matmul %convert_element_type3A_13, %get3A_16, %dot_general3A {dimension_numbers = #tpu.dot_dimension_numbers<[1], [0], [0], [1], [0, 0, 1, 1], [], []>, transpose_lhs_hint = false} : vector<256x2048xbf16>, vector<2048x1024xbf16>, vector<256x1024xf32> -> vector<256x1024xf32>
      %convert_element_type3A_18 = arith.truncf %dot_general3A_17 : vector<256x1024xf32> to vector<256x1024xbf16>
      %get3A_19 = arith.constant 0 : index
      %get3A_20 = arith.constant 0 : index
      %get3A_21 = arith.constant 0 : index
      %get3A_22 = vector.load %arg5[%get3A_19, %get3A_20, %get3A_21] : memref<1x1024x4096xbf16, #tpu.memory_space<vmem>>, vector<1x1024x4096xbf16>
      %get3A_23 = vector.shape_cast %get3A_22 : vector<1x1024x4096xbf16> to vector<1024x4096xbf16>
      %dot_general3A_24 = arith.constant dense<0.000000e+00> : vector<256x4096xf32>
      %dot_general3A_25 = tpu.matmul %convert_element_type3A_18, %get3A_23, %dot_general3A_24 {dimension_numbers = #tpu.dot_dimension_numbers<[1], [0], [0], [1], [0, 0, 1, 1], [], []>, transpose_lhs_hint = false} : vector<256x1024xbf16>, vector<1024x4096xbf16>, vector<256x4096xf32> -> vector<256x4096xf32>
      %get3A_26 = arith.constant 0 : index
      %get3A_27 = arith.constant 0 : index
      %get3A_28 = arith.constant 0 : index
      %get3A_29 = vector.load %arg6[%get3A_26, %get3A_27, %get3A_28] : memref<1x1x4096xf32, #tpu.memory_space<vmem>>, vector<1x1x4096xf32>
      %get3A_30 = vector.shape_cast %get3A_29 : vector<1x1x4096xf32> to vector<1x4096xf32>
      %add3A = vector.broadcast %get3A_30 : vector<1x4096xf32> to vector<256x4096xf32>
      %add3A_31 = arith.addf %dot_general3A_25, %add3A : vector<256x4096xf32>
      %max3A = arith.constant 0.000000e+00 : f32
      %max3A_32 = vector.broadcast %max3A : f32 to vector<256x4096xf32>
      %max3A_33 = arith.maximumf %add3A_31, %max3A_32 : vector<256x4096xf32>
      %convert_element_type3A_34 = arith.truncf %max3A_33 : vector<256x4096xf32> to vector<256x4096xbf16>
      %get3A_35 = arith.constant 0 : index
      %get3A_36 = arith.constant 0 : index
      %get3A_37 = arith.constant 0 : index
      %get3A_38 = vector.load %arg7[%get3A_35, %get3A_36, %get3A_37] : memref<1x4096x1024xbf16, #tpu.memory_space<vmem>>, vector<1x4096x1024xbf16>
      %get3A_39 = vector.shape_cast %get3A_38 : vector<1x4096x1024xbf16> to vector<4096x1024xbf16>
      %dot_general3A_40 = arith.constant dense<0.000000e+00> : vector<256x1024xf32>
      %dot_general3A_41 = tpu.matmul %convert_element_type3A_34, %get3A_39, %dot_general3A_40 {dimension_numbers = #tpu.dot_dimension_numbers<[1], [0], [0], [1], [0, 0, 1, 1], [], []>, transpose_lhs_hint = false} : vector<256x4096xbf16>, vector<4096x1024xbf16>, vector<256x1024xf32> -> vector<256x1024xf32>
      %get3A_42 = arith.constant 0 : index
      %get3A_43 = arith.constant 0 : index
      %get3A_44 = arith.constant 0 : index
      %get3A_45 = vector.load %arg8[%get3A_42, %get3A_43, %get3A_44] : memref<1x1x1024xf32, #tpu.memory_space<vmem>>, vector<1x1x1024xf32>
      %get3A_46 = vector.shape_cast %get3A_45 : vector<1x1x1024xf32> to vector<1x1024xf32>
      %add3A_47 = vector.broadcast %get3A_46 : vector<1x1024xf32> to vector<256x1024xf32>
      %add3A_48 = arith.addf %dot_general3A_41, %add3A_47 : vector<256x1024xf32>
      %get3A_49 = arith.constant 0 : index
      %get3A_50 = arith.constant 0 : index
      %get3A_51 = vector.load %arg9[%get3A_49, %get3A_50] : memref<256x1xf32, #tpu.memory_space<vmem>>, vector<256x1xf32>
      %mul3A = vector.broadcast %get3A_51 : vector<256x1xf32> to vector<256x1024xf32>
      %mul3A_52 = arith.mulf %add3A_48, %mul3A : vector<256x1024xf32>
      %convert_element_type3A_53 = arith.truncf %mul3A_52 : vector<256x1024xf32> to vector<256x1024xbf16>
      %get3A_54 = arith.constant 0 : index
      %get3A_55 = arith.constant 0 : index
      %get3A_56 = vector.load %arg10[%get3A_54, %get3A_55] : memref<2048x1024xf32, #tpu.memory_space<vmem>>, vector<2048x1024xf32>
      %dot_general3A_57 = arith.constant dense<0.000000e+00> : vector<2048x1024xf32>
      %dot_general3A_58 = tpu.matmul %convert_element_type3A_13, %convert_element_type3A_53, %dot_general3A_57 {dimension_numbers = #tpu.dot_dimension_numbers<[0], [0], [1], [1], [0, 1, 1, 1], [], []>, transpose_lhs_hint = false} : vector<256x2048xbf16>, vector<256x1024xbf16>, vector<2048x1024xf32> -> vector<2048x1024xf32>
      %add3A_59 = arith.addf %get3A_56, %dot_general3A_58 : vector<2048x1024xf32>
      %swap3A = arith.constant 0 : index
      %swap3A_60 = arith.constant 0 : index
      %swap3A_61 = vector.load %arg10[%swap3A, %swap3A_60] : memref<2048x1024xf32, #tpu.memory_space<vmem>>, vector<2048x1024xf32>
      tpu.vector_store %arg10[%swap3A, %swap3A_60], %add3A_59 {strides = array<i32>} : memref<2048x1024xf32, #tpu.memory_space<vmem>>, vector<2048x1024xf32>,
    } else {
    }
    return
  }
  func.func @transform_0(%arg0: i32, %arg1: memref<24xi32, #tpu.memory_space<smem>>, %arg2: memref<1xi32, #tpu.memory_space<smem>>) -> (i32, i32) {
    %c0_i32 = arith.constant 0 : i32
    %c0_i32_0 = arith.constant 0 : i32
    %c0_i32_1 = arith.constant 0 : i32
    return %c0_i32, %c0_i32_0 : i32, i32
  }
  func.func @transform_1(%arg0: i32, %arg1: memref<24xi32, #tpu.memory_space<smem>>, %arg2: memref<1xi32, #tpu.memory_space<smem>>) -> (i32, i32) {
    %c0_i32 = arith.constant 0 : i32
    %c0_i32_0 = arith.constant 0 : i32
    return %arg0, %c0_i32 : i32, i32
  }
  func.func @transform_2(%arg0: i32, %arg1: memref<24xi32, #tpu.memory_space<smem>>, %arg2: memref<1xi32, #tpu.memory_space<smem>>) -> (i32, i32, i32) {
    %get3A = arith.index_cast %arg0 : i32 to index
    %get3A_0 = memref.load %arg1[%get3A] : memref<24xi32, #tpu.memory_space<smem>>
    %c0_i32 = arith.constant 0 : i32
    %c0_i32_1 = arith.constant 0 : i32
    %c0_i32_2 = arith.constant 0 : i32
    return %get3A_0, %c0_i32, %c0_i32_1 : i32, i32, i32
  }
  func.func @transform_3(%arg0: i32, %arg1: memref<24xi32, #tpu.memory_space<smem>>, %arg2: memref<1xi32, #tpu.memory_space<smem>>) -> (i32, i32, i32) {
    %get3A = arith.index_cast %arg0 : i32 to index
    %get3A_0 = memref.load %arg1[%get3A] : memref<24xi32, #tpu.memory_space<smem>>
    %c0_i32 = arith.constant 0 : i32
    %c0_i32_1 = arith.constant 0 : i32
    %c0_i32_2 = arith.constant 0 : i32
    return %get3A_0, %c0_i32, %c0_i32_1 : i32, i32, i32
  }
  func.func @transform_4(%arg0: i32, %arg1: memref<24xi32, #tpu.memory_space<smem>>, %arg2: memref<1xi32, #tpu.memory_space<smem>>) -> (i32, i32, i32) {
    %get3A = arith.index_cast %arg0 : i32 to index
    %get3A_0 = memref.load %arg1[%get3A] : memref<24xi32, #tpu.memory_space<smem>>
    %c0_i32 = arith.constant 0 : i32
    %c0_i32_1 = arith.constant 0 : i32
    %c0_i32_2 = arith.constant 0 : i32
    return %get3A_0, %c0_i32, %c0_i32_1 : i32, i32, i32
  }
  func.func @transform_5(%arg0: i32, %arg1: memref<24xi32, #tpu.memory_space<smem>>, %arg2: memref<1xi32, #tpu.memory_space<smem>>) -> (i32, i32, i32) {
    %get3A = arith.index_cast %arg0 : i32 to index
    %get3A_0 = memref.load %arg1[%get3A] : memref<24xi32, #tpu.memory_space<smem>>
    %c0_i32 = arith.constant 0 : i32
    %c0_i32_1 = arith.constant 0 : i32
    %c0_i32_2 = arith.constant 0 : i32
    return %get3A_0, %c0_i32, %c0_i32_1 : i32, i32, i32
  }
  func.func @transform_6(%arg0: i32, %arg1: memref<24xi32, #tpu.memory_space<smem>>, %arg2: memref<1xi32, #tpu.memory_space<smem>>) -> (i32, i32) {
    %c0_i32 = arith.constant 0 : i32
    %c0_i32_0 = arith.constant 0 : i32
    return %arg0, %c0_i32 : i32, i32
  }
  func.func @transform_7(%arg0: i32, %arg1: memref<24xi32, #tpu.memory_space<smem>>, %arg2: memref<1xi32, #tpu.memory_space<smem>>) -> (i32, i32) {
    %c0_i32 = arith.constant 0 : i32
    %c0_i32_0 = arith.constant 0 : i32
    %c0_i32_1 = arith.constant 0 : i32
    return %c0_i32, %c0_i32_0 : i32, i32
  }
}

</mosaic_0001>

<sc_bundles>
// kernel: kernel.5.cloned.1.call-start
scs
__scs_entry_jumppad:
0x0: {  	(pc) =	sbr.rel $0x88, $3  }
0x1: {  	(tag) =	ssettag $0x0;
	lr =	simm.s32 $0x1  }
0x2: {  	[smem:$0x3F98] =	sst lr;
	_ =	strace $0xD0000000  }
0x3: {  	_ = 	snop  }
0x4: {  	_ = 	snop  }
0x5: {  	_ = 	snop  }
0x6: {  	_ = 	snop  }
0x7: {  	_ = 	snop  }
__scs_overlays_trampoline_lowered:
0x8: {  	[smem:$0x3FA7] =	sst s0  }
0x9: {  	[smem:$0x3FA8] =	sst s1  }
0xa: {  	[smem:$0x3FA9] =	sst s2  }
0xb: {  	[smem:$0x3FAA] =	sst s3  }
0xc: {  	[smem:$0x3FAB] =	sst s4  }
0xd: {  	[smem:$0x3FAC] =	sst s5  }
0xe: {  	[smem:$0x3FAD] =	sst s6  }
0xf: {  	[smem:$0x3FAE] =	sst s7  }
0x10: {  	[smem:$0x3FAF] =	sst s8  }
0x11: {  	[smem:$0x3FB0] =	sst s9;
	s0 =	simm.s32 @!p0 $0x0  }
0x12: {  	s1 =	sld [smem:$0x3F96];
	s0 =	simm.s32 @p0 $0x1  }
0x13: {  	[smem:$0x3FB1] =	sst s0;
	s0 =	simm.s32 @!p1 $0x0  }
0x14: {  	s2 =	sld [smem:$0x3F95];
	s0 =	simm.s32 @p1 $0x1  }
0x15: {  	[smem:$0x3FB2] =	sst s0;
	s0 =	simm.s32 @!p2 $0x0  }
0x16: {  	s3 =	sld [smem:$0x3FDB];
	s0 =	simm.s32 @p2 $0x1  }
0x17: {  	s4 =	simm.s32 $0x1BF5;
	[smem:$0x3FB4] =	sst s0  }
0x18: {  	s0 =	sld [smem:$0x3F97];
	_ =	swait.ge [sflag:s4], $0x0  }
0x19: {  	s7 =	sld [smem:$0x3F98]  }
0x1a: {  	s8 =	sadd.s32 $0xFFFFE003, lr  }
0x1b: {  	s9 =	sadd.s32 $0xFFFFFEF7, lr;
	s5 =	simm.s32 $0xFFFFFFFF;
	p2 =	slt.u32 s8, $0xFFFFF086  }
0x1c: {  	p1 =	slt.u32 s9, $0xF7A;
	s5 =	simm.s32 @!p2 $0x0  }
0x1d: {  	s5 =	simm.s32 @p1 $0x1;
	p0 =	seq.s32 s7, s2  }
0x1e: {  	s7 =	smul.u32 @!p0 $0xF7A, s2;
	p2 =	seq.s32 @!p0 s5, $0x0  }
0x1f: {  	s9 =	smul.u32 $0xF7A, s1;
	s8 =	simm.s32 @!p0 $0x1BF5;
	p2 =	por !p2, p0  }
0x20: {  	[sflag:s8] =	ssyncset.s32 @!p0 $0xFFFFF086;
	s6 =	sadd.s32 @!p0 s3, s7;
	s7 =	simm.s32 @!p0 $0x108  }
0x21: {  	s3 =	sadd.s32 s3, s9;
	s6 =	sadd.s32 @!p0 $0x88, s6;
	s7 =	simm.s32 @p2 $0x1082  }
0x22: {  	[simem:s7], [sflag:s8] =	dma.local @!p0 [hbm:s6], $0xF7A  }
0x23: {  	s9 =	sor.u32 $0xD0000000, s2;
	s6 =	simm.s32 $0x108;
	_ =	swait.ge @!p0 [sflag:s8], $0x0  }
0x24: {  	s3 =	sadd.s32 $0x88, s3;
	s6 =	simm.s32 @!p1 $0x1082;
	[sflag:s4] =	ssyncset.s32 $0xFFFFF086  }
0x25: {  	[simem:s6], [sflag:s4] =	dma.local [hbm:s3], $0xF7A  }
0x26: {  	[smem:$0x3F98] =	sst s1;
	(tag) =	ssettag s2;
	_ =	strace s9  }
0x27: {  	s1 =	sld [smem:$0x3FA8]  }
0x28: {  	s2 =	sld [smem:$0x3FA9]  }
0x29: {  	s4 =	sld [smem:$0x3FAB]  }
0x2a: {  	p0 =	seq.s32 s5, $0x0;
	s5 =	sld [smem:$0x3FAC]  }
0x2b: {  	s6 =	sld [smem:$0x3FAD]  }
0x2c: {  	s7 =	sld [smem:$0x3FAE]  }
0x2d: {  	s3 =	simm.s32 $0x108;
	s8 =	sld [smem:$0x3FAF]  }
0x2e: {  	s3 =	simm.s32 @!p0 $0x1082;
	s9 =	sld [smem:$0x3FB0]  }
0x2f: {  	lr =	sadd.s32 s0, s3;
	s0 =	sld [smem:$0x3FA7]  }
0x30: {  	s3 =	sld [smem:$0x3FAA]  }
0x31: {  	[smem:$0x3FB3] =	sst s10  }
0x32: {  	s10 =	sld [smem:$0x3FB1];
	_ =	sdelay $0x3  }
0x33: {  	p0 =	seq.s32 s10, $0x1;
	s10 =	sld [smem:$0x3FB3];
	_ =	sdelay $0x3  }
0x34: {  	[smem:$0x3FB3] =	sst s10  }
0x35: {  	s10 =	sld [smem:$0x3FB2];
	_ =	sdelay $0x3  }
0x36: {  	p1 =	seq.s32 s10, $0x1;
	s10 =	sld [smem:$0x3FB3];
	_ =	sdelay $0x3  }
0x37: {  	[smem:$0x3FB3] =	sst s10  }
0x38: {  	s10 =	sld [smem:$0x3FB4]  }
0x39: {  	_ = 	snop;
	(pc) =	sbr.ind lr, $3  }
0x3a: {  	_ = 	snop  }
0x3b: {  	_ = 	snop  }
0x3c: {  	p2 =	seq.s32 s10, $0x1;
	s10 =	sld [smem:$0x3FB3]  }
0x3d: {  	_ =	shalt  }
0x3e: {  	_ =	shalt  }
0x3f: {  	_ =	shalt  }
0x40: {  	_ =	shalt  }
0x41: {  	_ =	shalt  }
0x42: {  	_ =	shalt  }
0x43: {  	_ =	shalt  }
0x44: {  	_ =	shalt  }
0x45: {  	_ =	shalt  }
0x46: {  	_ =	shalt  }
0x47: {  	_ =	shalt  }
0x48: {  	_ =	shalt  }
0x49: {  	_ =	shalt  }
0x4a: {  	_ =	shalt  }
0x4b: {  	_ =	shalt  }
0x4c: {  	_ =	shalt  }
0x4d: {  	_ =	shalt  }
0x4e: {  	_ =	shalt  }
0x4f: {  	_ =	shalt  }
0x50: {  	_ =	shalt  }
0x51: {  	_ =	shalt  }
0x52: {  	_ =	shalt  }
0x53: {  	_ =	shalt  }
0x54: {  	_ =	shalt  }
0x55: {  	_ =	shalt  }
0x56: {  	_ =	shalt  }
0x57: {  	_ =	shalt  }
0x58: {  	_ =	shalt  }
0x59: {  	_ =	shalt  }
0x5a: {  	_ =	shalt  }
0x5b: {  	_ =	shalt  }
0x5c: {  	_ =	shalt  }
0x5d: {  	_ =	shalt  }
0x5e: {  	_ =	shalt  }
0x5f: {  	_ =	shalt  }
0x60: {  	_ =	shalt  }
0x61: {  	_ =	shalt  }
0x62: {  	_ =	shalt  }
0x63: {  	_ =	shalt  }
0x64: {  	_ =	shalt  }
0x65: {  	_ =	shalt  }
0x66: {  	_ =	shalt  }
0x67: {  	_ =	shalt  }
0x68: {  	_ =	shalt  }
0x69: {  	_ =	shalt  }
0x6a: {  	_ =	shalt  }
0x6b: {  	_ =	shalt  }
0x6c: {  	_ =	shalt  }
0x6d: {  	_ =	shalt  }
0x6e: {  	_ =	shalt  }
0x6f: {  	_ =	shalt  }
0x70: {  	_ =	shalt  }
0x71: {  	_ =	shalt  }
0x72: {  	_ =	shalt  }
0x73: {  	_ =	shalt  }
0x74: {  	_ =	shalt  }
0x75: {  	_ =	shalt  }
0x76: {  	_ =	shalt  }
0x77: {  	_ =	shalt  }
0x78: {  	_ =	shalt  }
0x79: {  	_ =	shalt  }
0x7a: {  	_ =	shalt  }
0x7b: {  	_ =	shalt  }
0x7c: {  	_ =	shalt  }
0x7d: {  	_ =	shalt  }
0x7e: {  	_ =	shalt  }
0x7f: {  	_ =	shalt  }
0x80: {  	_ =	shalt  }
0x81: {  	_ =	shalt  }
0x82: {  	_ =	shalt  }
0x83: {  	_ =	shalt  }
0x84: {  	_ =	shalt  }
0x85: {  	_ =	shalt  }
0x86: {  	_ =	shalt  }
0x87: {  	_ =	shalt  }
.Lfunc_end0:
.L_simem_size_0:
called_computation_lowered:
.L_overlay_start_0:
0x88: {  	s2 =	sld [smem:$0x3FD9]  }
0x89: {  	s3 =	sld [smem:$0x3FFE];
	_ =	sdelay $0x1  }
0x8a: {  	s1 =	srdreg.scid  }
0x8b: {  	s0 =	sand.u32 $0x1, s1  }
0x8c: {  	s17 =	sshll.u32 s0, $0xA;
	s2 =	sadd.s32 s3, s2  }
0x8d: {  	s2 =	sadd.s32 s2, s17  }
0x8e: {  	[smem:$0x3FBF] =	sst s2  }
0x8f: {  	_ = 	snop  }
0x90: {  	s2 =	sld [smem:$0x3FD0];
	(tm) =	ssettm $0x1  }
0x91: {  	s18 =	sld [smem:$0x3FFB];
	_ =	sdelay $0x3  }
0x92: {  	_ =	strace s18  }
0x93: {  	s3 =	sld [smem:$0x3FFC];
	_ =	sdelay $0x3  }
0x94: {  	_ =	strace s3  }
0x95: {  	s3 =	sld [smem:$0x3FFD];
	_ =	sdelay $0x3  }
0x96: {  	_ =	strace s3  }
0x97: {  	_ =	strace $0x8FFFFFFF  }
0x98: {  	s19 =	sld [smem:$0x3FDB];
	_ =	sdelay $0x1  }
0x99: {  	s4 =	simm.s32 $_scs_section_size  }
0x9a: {  	s5 =	simm.s32 $_size__tile_overlayer_lowered;
	s6 =	simm.s32 $_tile_overlayer_lowered  }
0x9b: {  	s22 =	simm.s32 $0x1BFF;
	s21 =	sshll.u32 s6, $0x1;
	s3 =	sadd.s32 s4, s19  }
0x9c: {  	s7 =	simm.s32 $0x0;
	s20 =	sshll.u32 s5, $0x1;
	s5 =	sadd.s32 s21, s3  }
0x9d: {  	[timem:s7], [sflag:s22] =	dma.local [hbm:s5], s20  }
0x9e: {  	_ =	swait.ge [sflag:s22], s20  }
0x9f: {  	s4 =	ssub.s32 $0x0, s20;
	[sflag:s22] =	ssyncset.done $0x0  }
0xa0: {  	[sflag:s22] =	ssyncadd.s32 s4;
	_ =	sdelay $0x1  }
0xa1: {  	s23 =	simm.s32 $0x1B8B  }
0xa2: {  	_ =	swait.ge [sflag:s23], $0x1  }
0xa3: {  	[sflag:s23] =	ssyncset.done $0x0  }
0xa4: {  	s25 =	simm.s32 $0x1B8E;
	s24 =	sld [smem:$0x3FFE];
	[sflag:s23] =	ssyncadd.s32 $0xFFFFFFFF  }
0xa5: {  	s26 =	simm.s32 $execute0_lowered;
	[smem:$0x3FD2] =	sst s25  }
0xa6: {  	s5 =	sshll.u32 s26, $0x1;
	_ =	strace $0x80000046;
	[dreg:$0x1] =	wrdreg $0xFFFFFFFF  }
0xa7: {  	s28 =	simm.s32 $_size_execute0_lowered;
	s3 =	sadd.s32 s3, s5;
	[dreg:$0x0] =	wrdreg $0x0  }
0xa8: {  	s5 =	sshll.u32 s28, $0x1;
	[dreg:$0x2] =	wrdreg s3  }
0xa9: {  	[dreg:$0x3] =	wrdreg s5  }
0xaa: {  	[dreg:$0x4] =	wrdreg $0xC0  }
0xab: {  	_ =	task [dreg:s7], $0x5FFFF  }
0xac: {  	[dreg:$0x1] =	wrdreg $0xFFFFFFFF  }
0xad: {  	[dreg:$0x0] =	wrdreg $0x60  }
0xae: {  	[dreg:$0x2] =	wrdreg s24  }
0xaf: {  	[dreg:$0x3] =	wrdreg s2  }
0xb0: {  	[dreg:$0x4] =	wrdreg $0x9  }
0xb1: {  	_ =	task.clear_ibuf [dreg:s7], $0x5FFFF;
	_ =	strace $0x90000046  }
0xb2: {  	s29 =	simm.s32 $0x9;
	_ =	strace $0x80000048  }
0xb3: {  	_ =	swait.ge [sflag:s29], $0x1  }
0xb4: {  	[sflag:s29] =	ssyncadd.s32 $0xFFFFFFFF  }
0xb5: {  	_ =	strace $0x90000048  }
0xb6: {  	_ =	sfence  }
0xb7: {  	s30 =	sld [smem:$0x0];
	_ =	sdelay $0x2  }
0xb8: {  	s31 =	sshll.u32 s1, $0xD;
	s1 =	sshrl.u32 s1, $0x2  }
0xb9: {  	s3 =	sand.u32 $0x4000, s31;
	s1 =	sadd.s32 s1, s30  }
0xba: {  	s0 =	sor.u32 s3, s0;
	s1 =	sshll.u32 s1, $0x11  }
0xbb: {  	s0 =	sor.u32 s1, s0  }
0xbc: {  	s0 =	sadd.s32 $0x8F2B, s0  }
0xbd: {  	[sflag:s0] =	ssyncadd.remote.s32 $0x1  }
0xbe: {  	_ =	sfence.sel $0xFFFF  }
0xbf: {  	[dreg:$0x0] =	wrdreg $0xFFFFFFFF;
	(pc) =	sbr.abs _section_cstart, $3  }
0xc0: {  	[dreg:$0x1] =	wrdreg $0xFFFFFFFF  }
0xc1: {  	_ =	task.clear_ibuf [dreg:s7], $0x2FFFF;
	_ =	strace $0x9FFFFFFF  }
0xc2: {  	(tm) =	ssettm $0x7FFFFFFF  }
0xc3: {  	_ =	shalt  }
tec
execute0_lowered:
.L_overlay_start_1:
0x0: {  	(tag) =	ssettag $0x1  }
0x1: {  	s1 =	stileid.u32  }
0x2: {  	p0 =	sgt.u32 s1, $0x3  }
.Ltmp0:
0x3: {  	_ = 	snop;
	(pc) =	sbr.rel @p0 .LBB2_15-.Ltmp0, $4  }
0x4: {  	s7 =	rddreg [dreg:$0x0]  }
0x5: {  	s2 =	rddreg [dreg:$0x1];
	s3 =	simm.s32 $0x0  }
0x6: {  	[smem:$0x7FF] =	sst s3  }
0x7: {  	s0 =	rddreg [dreg:$0x2];
	_ =	strace $0x80000047  }
0x8: {  	s4 =	srdreg.scid  }
0x9: {  	s9 =	sshll.u32 s1, $0x1;
	s5 =	sadd.s32 $0x600, s7;
	s11 =	simm.s32 $0x4100  }
.Ltmp1:
0xa: {  	s12 =	simm.s32 $0x2000;
	s6 =	sand.u32 $0x1, s4;
	(pc) =	sbr.rel .LBB2_2-.Ltmp1, $4  }
0xb: {  	s13 =	simm.s32 $0x3080;
	s14 =	simm.s32 $0x0;
	s8 =	ssub.s32 $0x2, s6  }
0xc: {  	s4 =	sadd.s32 $0x400, s7;
	s9 =	sor.u32 s6, s9;
	s10 =	sshrl.u32 s8, $0x1  }
0xd: {  	v1 =	vlaneseq.u32;
	v2 =	vimm.s32 $0x0;
	s6 =	sadd.s32 $0x800, s7;
	s7 =	sadd.s32 $0xA00, s7;
	v0 =	vmov s9;
	s8 =	ssub.s32 s8, s10  }
0xe: {  	v3 =	vimm.f32 $0.0e+00;
	v4 =	vor.u32 $0x1000, v1;
	s9 =	simm.s32 $0x1;
	vm0 =	veq.s32 v0, v1;
	s10 =	simm.s32 $0x1000;
	s8 =	smax.u32 s8, $0x1  }
.LBB2_7:
0xf: {  	s19 =	simm.s32 $0x2000  }
.LBB2_13:
0x10: {  	s15 =	sadd.s32 @p0 $0x100, s19  }
0x11: {  	s30 =	sadd.s32 s2, s16;
	[sflag:s9] =	ssyncadd.s32 @p0 $0xFFFFFF00;
	s17 =	smov.u32 @p0 s15  }
0x12: {  	[hbm4b:s30+s3] =	stream.linear.scatter [tilespmem:s17], [sflag:$0x1], $0x100, $0x38;
	[tilespmem:$0x4180] =	vst v63  }
0x13: {  	_ =	swait.ge [sflag:s9], $0x100  }
0x14: {  	[sflag:s9] =	ssyncset.done $0x0  }
0x15: {  	s31 =	sadd.s32 s7, s16;
	[sflag:s9] =	ssyncadd.s32 $0xFFFFFF00  }
0x16: {  	[hbm4b:s31+s3] =	stream.linear.scatter [tilespmem:s18], [sflag:$0x1], $0x100, $0x38;
	[tilespmem:$0x4180] =	vst v63  }
0x17: {  	_ =	swait.ge [sflag:s9], $0x100  }
0x18: {  	[sflag:s9] =	ssyncset.done $0x0  }
0x19: {  	[sflag:s9] =	ssyncadd.s32 $0xFFFFFF00  }
.LBB2_14:
0x1a: {  	s14 =	sadd.s32 $0x1, s14  }
0x1b: {  	p0 =	sne.s32 s14, s8  }
.Ltmp2:
0x1c: {  	_ = 	snop;
	(pc) =	sbr.rel @!p0 .LBB2_15-.Ltmp2, $1  }
0x1d: {  	_ =	sdelay $0x3  }
.LBB2_2:
0x1e: {  	[tilespmem:s3], [sflag:$0x1] =	stream.linear.gather [hbm4b:s4+s3], $0x1000, $0x38;
	[tilespmem:$0x4180] =	vst v63  }
0x1f: {  	_ =	swait.ge [sflag:s9], $0x1000  }
0x20: {  	[sflag:s9] =	ssyncset.done $0x0  }
0x21: {  	[sflag:s9] =	ssyncadd.s32 $0xFFFFF000  }
0x22: {  	[tilespmem:s10], [sflag:$0x1] =	stream.linear.gather [hbm4b:s5+s3], $0x1000, $0x38;
	[tilespmem:$0x4180] =	vst v63  }
0x23: {  	_ =	swait.ge [sflag:s9], $0x1000  }
0x24: {  	[sflag:s9] =	ssyncset.done $0x0  }
0x25: {  	[sflag:s9] =	ssyncadd.s32 $0xFFFFF000  }
0x26: {  	[tilespmem:s11], [sflag:$0x1] =	stream.linear.gather [hbm4b:s6+s3], $0x80, $0x38;
	[tilespmem:$0x4180] =	vst v63  }
0x27: {  	_ =	swait.ge [sflag:s9], $0x80  }
0x28: {  	[sflag:s9] =	ssyncset.done $0x0  }
0x29: {  	[sflag:s9] =	ssyncadd.s32 $0xFFFFFF80  }
0x2a: {  	v5 =	vld [tilespmem:$0x4100];
	_ =	sdelay $0x4  }
0x2b: {  	v6 =	vadd.s32 $0xFF, v5  }
0x2c: {  	v7 =	vshra.s32 v6, $0x1F;
	v8 =	vand.u32 $0xFF, v6  }
0x2d: {  	vm2 =	vlt.s32 v6, $0x1;
	vm1 =	vne.s32 v8, $0x0;
	v7 =	vshrl.u32 v7, $0x18  }
0x2e: {  	v6 =	vadd.s32 v7, v6;
	vm1 =	vmand vm2, vm1  }
0x2f: {  	v6 =	vshrl.u32 v6, $0x8;
	v7 =	vsel vm1, $0xFFFFFFFF, v2  }
0x30: {  	v6 =	vadd.s32 v7, v6  }
0x31: {  	v6 =	vshll.u32 v6, $0x8  }
0x32: {  	(xrf0) =	vadd.scan.msk.s32 $0xffff, v6;
	_ =	sdelay $0x5  }
0x33: {  	v7, _, _ =	vpop (xrf0)  }
0x34: {  	v6 =	vsub.s32 v7, v6  }
0x35: {  	v6 =	vnsel vm0, $0x0, v6  }
0x36: {  	v5 =	vnsel vm0, $0x0, v5;
	(xrf0) =	vadd.scan.msk.s32 $0xffff, v6  }
0x37: {  	(xrf0) =	vadd.scan.msk.s32 $0xffff, v5;
	_ =	sdelay $0x4  }
0x38: {  	v5, _, _ =	vpop (xrf0)  }
0x39: {  	(v2sf) =	vpush v5, $0xF;
	v5, _, _ =	vpop (xrf0)  }
0x3a: {  	(v2sf) =	vpush v5, $0xF;
	_ =	sdelay $0xd  }
0x3b: {  	s15 =	spop (v2sf)  }
0x3c: {  	s16 =	spop (v2sf)  }
0x3d: {  	s16 =	sadd.s32 $0xFF, s16  }
0x3e: {  	s17 =	sand.u32 $0xFF, s16  }
0x3f: {  	s31 =	sshra.s32 s16, $0x1F;
	p1 =	slt.s32 s16, $0x1;
	p0 =	sne.s32 s17, $0x0  }
0x40: {  	s17 =	sshrl.u32 s31, $0x18;
	p0 =	por !p1, !p0  }
0x41: {  	s16 =	sadd.s32 s17, s16;
	s17 =	simm.s32 $0x1;
	p0 =	por !p0, !p0  }
0x42: {  	s16 =	sshra.s32 s16, $0x8;
	s17 =	simm.s32 @!p0 $0x0  }
0x43: {  	s16 =	ssub.s32 s16, s17  }
0x44: {  	p0 =	sgt.s32 s16, $0x0  }
.Ltmp3:
0x45: {  	_ = 	snop;
	(pc) =	sbr.rel @!p0 .LBB2_3-.Ltmp3, $1  }
0x46: {  	_ =	sdelay $0x3  }
0x47: {  	s18 =	sshll.u32 s16, $0x4  }
0x48: {  	p1 =	seq.s32 s18, $0x1  }
.Ltmp4:
0x49: {  	_ = 	snop;
	(pc) =	sbr.rel @p1 .LBB2_3-.Ltmp4, $4  }
0x4a: {  	_ = 	snop  }
0x4b: {  	s19 =	simm.s32 $0x2000  }
0x4c: {  	s17 =	simm.s32 $0x3080;
	[tilespmem:s19+$0x0] =	vst v2  }
0x4d: {  	s18 =	sadd.s32 $0xFFFFFFFF, s18;
	s19 =	simm.s32 $0x2010;
	[tilespmem:s17+$0x0] =	vst v3  }
.LBB2_9:
0x4e: {  	[tilespmem:s19+$0x0] =	vst v2;
	s17 =	sadd.s32 $0x10, s17;
	p1 =	seq.s32 s18, $0x1  }
.Ltmp5:
0x4f: {  	s18 =	sadd.s32 $0xFFFFFFFF, s18;
	[tilespmem:s17+$0x0] =	vst v3;
	(pc) =	sbr.rel @!p1 .LBB2_9-.Ltmp5, $2  }
0x50: {  	_ =	sdelay $0x2  }
0x51: {  	s19 =	sadd.s32 $0x10, s19  }
.LBB2_3:
0x52: {  	s18 =	simm.s32 $0x0  }
0x53: {  	v5 =	vld [tilespmem:s18+$0x0];
	_ =	sdelay $0x4  }
0x54: {  	vm1 =	veq.s32 v5, v0  }
0x55: {  	v5 =	vsel vm1, $0x1, v2  }
0x56: {  	(xrf0) =	vadd.scan.msk.s32 $0xffff, v5;
	_ =	sdelay $0x2  }
0x57: {  	v5 =	vmov s18  }
0x58: {  	v5 =	vadd.s32 $0xFFFFFFFF, v5  }
0x59: {  	v5 =	vbroadcast v5, $0x0  }
0x5a: {  	v6, _, _ =	vpop (xrf0)  }
0x5b: {  	v5 =	vadd.s32 v6, v5;
	(v2sf) =	vpush v6, $0xF  }
0x5c: {  	s17 =	simm.s32 $0x1000;
	v5 =	vsel vm1, v5, v4  }
0x5d: {  	v7 =	vld [tilespmem:s17+$0x0];
	_ =	sdelay $0x1  }
0x5e: {  	v8 =	vor.u32 s18, v1  }
0x5f: {  	v8 =	vshrl.u32 v8, $0x1  }
0x60: {  	[tilespmem:v5+s12+$0x0] =	vst.idx.msk $0xffff, v8  }
0x61: {  	s19 =	simm.s32 $0x10;
	[tilespmem:v5+s13+$0x0] =	vst.idx.msk $0xffff, v7  }
0x62: {  	s20 =	simm.s32 $0x20;
	s21 =	simm.s32 $0x10;
	v5 =	vld [tilespmem:s19+$0x0]  }
.LBB2_4:
0x63: {  	p1 =	seq.s32 s20, $0xFF0;
	_ =	sdelay $0x3  }
0x64: {  	vm1 =	veq.s32 v5, v0  }
0x65: {  	v5 =	vsel vm1, $0x1, v2  }
0x66: {  	(xrf0) =	vadd.scan.msk.s32 $0xffff, v5;
	s22 =	spop (v2sf)  }
0x67: {  	s18 =	sadd.s32 s18, s22  }
0x68: {  	v5 =	vmov s18  }
0x69: {  	v5 =	vadd.s32 $0xFFFFFFFF, v5  }
0x6a: {  	v5 =	vbroadcast v5, $0x0;
	_ =	sdelay $0x1  }
0x6b: {  	v6, _, _ =	vpop (xrf0)  }
0x6c: {  	v5 =	vadd.s32 v6, v5;
	(v2sf) =	vpush v6, $0xF  }
0x6d: {  	s17 =	sadd.s32 $0x10, s17;
	v5 =	vsel vm1, v5, v4  }
0x6e: {  	v6 =	vld [tilespmem:s17+$0x0];
	_ =	sdelay $0x1  }
.Ltmp6:
0x6f: {  	v7 =	vor.u32 s19, v1;
	s19 =	smov.u32 s20;
	(pc) =	sbr.rel @!p1 .LBB2_4-.Ltmp6, $4  }
0x70: {  	v7 =	vshrl.u32 v7, $0x1  }
0x71: {  	[tilespmem:v5+s12+$0x0] =	vst.idx.msk $0xffff, v7  }
0x72: {  	s21 =	sadd.s32 $0x10, s21;
	[tilespmem:v5+s13+$0x0] =	vst.idx.msk $0xffff, v6  }
0x73: {  	s20 =	sadd.s32 $0x10, s20;
	v5 =	vld [tilespmem:s21+$0x0]  }
0x74: {  	_ =	sdelay $0x3  }
0x75: {  	vm1 =	veq.s32 v5, v0  }
0x76: {  	v5 =	vsel vm1, $0x1, v2  }
0x77: {  	(xrf0) =	vadd.scan.msk.s32 $0xffff, v5;
	_ =	sdelay $0x5  }
0x78: {  	v5, _, _ =	vpop (xrf0)  }
0x79: {  	(v2sf) =	vpush v5, $0xF;
	_ =	sdelay $0x1  }
0x7a: {  	s20 =	spop (v2sf)  }
0x7b: {  	s18 =	sadd.s32 s18, s20  }
0x7c: {  	v6 =	vmov s18  }
0x7d: {  	v6 =	vadd.s32 $0xFFFFFFFF, v6  }
0x7e: {  	v6 =	vbroadcast v6, $0x0;
	_ =	sdelay $0x1  }
0x7f: {  	v5 =	vadd.s32 v5, v6  }
0x80: {  	s17 =	sadd.s32 $0x10, s17;
	v5 =	vsel vm1, v5, v4  }
0x81: {  	v6 =	vld [tilespmem:s17+$0x0]  }
.Ltmp7:
0x82: {  	_ = 	snop;
	(pc) =	sbr.rel @!p0 .LBB2_14-.Ltmp7, $4  }
0x83: {  	v7 =	vor.u32 s19, v1  }
0x84: {  	v7 =	vshrl.u32 v7, $0x1  }
0x85: {  	[tilespmem:v5+s12+$0x0] =	vst.idx.msk $0xffff, v7  }
0x86: {  	[tilespmem:v5+s13+$0x0] =	vst.idx.msk $0xffff, v6;
	s31 =	spop (v2sf)  }
0x87: {  	p1 =	sne.s32 s16, $0x1  }
.Ltmp8:
0x88: {  	_ = 	snop;
	(pc) =	sbr.rel @!p1 .LBB2_7-.Ltmp8, $3  }
0x89: {  	_ =	sdelay $0x1  }
0x8a: {  	s17 =	simm.s32 $0x2000;
	s18 =	simm.s32 $0x3080  }
0x8b: {  	s19 =	sadd.s32 $0xFFFFFFFF, s16;
	s16 =	sshrl.u32 s15, $0x3;
	p0 =	por $0x0, $0x0  }
0x8c: {  	s20 =	sadd.s32 s2, s16  }
0x8d: {  	[hbm4b:s20+s3] =	stream.linear.scatter [tilespmem:s17], [sflag:$0x1], $0x100, $0x38;
	[tilespmem:$0x4180] =	vst v63  }
0x8e: {  	p1 =	sne.s32 s19, $0x1;
	_ =	swait.ge [sflag:s9], $0x100  }
.Ltmp9:
0x8f: {  	s31 =	sadd.s32 s7, s16;
	[sflag:s9] =	ssyncset.done $0x0;
	(pc) =	sbr.rel @!p1 .LBB2_11-.Ltmp9, $4  }
0x90: {  	s15 =	sadd.s32 $0x100, s15;
	p0 =	por $0x1, $0x1;
	[sflag:s9] =	ssyncadd.s32 $0xFFFFFF00  }
0x91: {  	[hbm4b:s31+s3] =	stream.linear.scatter [tilespmem:s18], [sflag:$0x1], $0x100, $0x38;
	[tilespmem:$0x4180] =	vst v63  }
0x92: {  	s20 =	sadd.s32 $0xFFFFFFFF, s19;
	s16 =	sshrl.u32 s15, $0x3;
	_ =	swait.ge [sflag:s9], $0x100  }
0x93: {  	s19 =	simm.s32 $0x2000;
	s18 =	simm.s32 $0x3180;
	[sflag:s9] =	ssyncset.done $0x0  }
.LBB2_12:
0x94: {  	s21 =	sadd.s32 s2, s16;
	[sflag:s9] =	ssyncadd.s32 $0xFFFFFF00;
	s19 =	sadd.s32 $0x100, s19  }
0x95: {  	[hbm4b:s21+s3] =	stream.linear.scatter [tilespmem:s19], [sflag:$0x1], $0x100, $0x38;
	[tilespmem:$0x4180] =	vst v63  }
0x96: {  	p1 =	sne.s32 s20, $0x1;
	s20 =	sadd.s32 $0xFFFFFFFF, s20;
	_ =	swait.ge [sflag:s9], $0x100  }
.Ltmp10:
0x97: {  	[sflag:s9] =	ssyncset.done $0x0;
	(pc) =	sbr.rel @p1 .LBB2_12-.Ltmp10, $4  }
0x98: {  	s16 =	sadd.s32 s7, s16;
	[sflag:s9] =	ssyncadd.s32 $0xFFFFFF00  }
0x99: {  	[hbm4b:s16+s3] =	stream.linear.scatter [tilespmem:s18], [sflag:$0x1], $0x100, $0x38;
	[tilespmem:$0x4180] =	vst v63  }
0x9a: {  	s15 =	sadd.s32 $0x100, s15;
	_ =	swait.ge [sflag:s9], $0x100  }
0x9b: {  	s16 =	sshrl.u32 s15, $0x3;
	s18 =	sadd.s32 $0x100, s18;
	[sflag:s9] =	ssyncset.done $0x0  }
.Ltmp11:
0x9c: {  	_ = 	snop;
	(pc) =	sbr.rel .LBB2_13-.Ltmp11, $1  }
0x9d: {  	_ =	sdelay $0x3  }
.LBB2_11:
.Ltmp12:
0x9e: {  	(pc) =	sbr.rel .LBB2_13-.Ltmp12, $2  }
0x9f: {  	_ =	sdelay $0x2  }
0xa0: {  	s19 =	simm.s32 $0x2000  }
.LBB2_15:
0xa1: {  	_ =	sfence.sel $0x180000  }
0xa2: {  	[bflag:$0x0] =	sbarrier.arrive $0xFFFF  }
0xa3: {  	p0 =	sne.s32 s1, $0x0;
	_ =	strace $0x90000047  }
0xa4: {  	s0 =	sadd.s32 @!p0 $0x100000, s0;
	[bflag:$0x2] =	sbarrier.arrive $0xFFFF  }
0xa5: {  	[sflag:s0] =	ssyncadd.tile.s32 @!p0 $0x1;
	_ =	shalt  }
.Lfunc_end2:
_tile_overlayer_lowered:
.L_overlay_start_2:
0xa6: {  	(tag) =	ssettag $0x2  }
0xa7: {  	s0 =	rddreg [dreg:$0x0];
	s2 =	stileid.u32  }
0xa8: {  	s1 =	rddreg [dreg:$0x1];
	p0 =	sne.s32 s2, $0x0  }
0xa9: {  	s3 =	rddreg [dreg:$0x2];
	[bflag:$0x3] =	sbarrier.arrive $0xFFFF;
	s2 =	simm.s32 @!p0 $0x1C01  }
0xaa: {  	[timem:s3], [sflag:s2] =	dma.local @!p0 [hbm:s0], s1  }
0xab: {  	s0 =	simm.s32 @!p0 $0x1  }
0xac: {  	_ =	swait.ge @!p0 [sflag:s0], s1  }
0xad: {  	s1 =	ssub.s32 @!p0 $0x0, s1;
	[sflag:s0] =	ssyncset.done @!p0 $0x0  }
0xae: {  	[sflag:s0] =	ssyncadd.s32 @!p0 s1  }
0xaf: {  	[bflag:$0x3] =	sbarrier.arrive $0xFFFF  }
0xb0: {  	_ =	shalt  }

</sc_bundles>
